<compile_context>
chip_gen: v7x
topology: tpu7x:2x2x1
jax: 0.10.2.dev20260603
libtpu: 0.0.44.dev20260713+nightly
codegen_flags: <defaults>
</compile_context>

<pallas_src>
import functools

import jax
import jax.numpy as jnp
from jax import lax
from jax.experimental import pallas as pl
from jax.experimental.pallas import tpu as pltpu
from jax.experimental.pallas import tpu_sc as plsc

N = 10000
E = 320000
F = 128
NC = 2
NS = 16
NW = NC * NS
NP = 10240
RPT = NP // NS
EC = 80
NCHUNK = 126
EPT = EC * NCHUNK
EPT_RAW = E // NW

_mesh = plsc.VectorSubcoreMesh(
    core_axis_name="c", subcore_axis_name="s", num_cores=NC, num_subcores=NS)


@functools.partial(
    pl.kernel,
    out_type=(
        jax.ShapeDtypeStruct((NW * NP,), jnp.float32),
        jax.ShapeDtypeStruct((NW * NP,), jnp.float32),
    ),
    mesh=_mesh,
    compiler_params=pltpu.CompilerParams(needs_layout_passes=False),
    scratch_types=[
        pltpu.VMEM((EPT,), jnp.int32),
        pltpu.VMEM((EPT,), jnp.int32),
        pltpu.VMEM((NP,), jnp.float32),
        pltpu.VMEM((NP,), jnp.float32),
    ],
)
def _deg_kernel(src_hbm, dst_hbm, zeros_hbm, outO_hbm, outI_hbm,
                sidx, didx, accO, accI):
    cid = lax.axis_index("c")
    sid = lax.axis_index("s")
    wid = cid * NS + sid

    pltpu.sync_copy(zeros_hbm, accO)
    pltpu.sync_copy(zeros_hbm, accI)
    pltpu.sync_copy(src_hbm.at[pl.ds(wid * EPT, EPT)], sidx)
    pltpu.sync_copy(dst_hbm.at[pl.ds(wid * EPT, EPT)], didx)

    one16 = jnp.ones((16,), jnp.float32)

    def body(i, carry):
        iv = sidx[pl.ds(i * 16, 16)]
        plsc.addupdate_scatter(accO, [iv], one16)
        jv = didx[pl.ds(i * 16, 16)]
        plsc.addupdate_scatter(accI, [jv], one16)
        return carry

    lax.fori_loop(0, EPT // 16, body, 0)

    pltpu.sync_copy(accO, outO_hbm.at[pl.ds(wid * NP, NP)])
    pltpu.sync_copy(accI, outI_hbm.at[pl.ds(wid * NP, NP)])


@functools.partial(
    pl.kernel,
    out_type=jax.ShapeDtypeStruct((NC, NP, F), jnp.float32),
    mesh=_mesh,
    scratch_types=[
        pltpu.VMEM((EPT,), jnp.int32),
        pltpu.VMEM((EPT,), jnp.int32),
        pltpu.VMEM((EC, F), jnp.float32),
        pltpu.VMEM((EC, F), jnp.float32),
        pltpu.VMEM_SHARED((NP, F), jnp.float32),
        pltpu.SemaphoreType.DMA,
        pltpu.SemaphoreType.DMA,
        pltpu.SemaphoreType.DMA,
        pltpu.SemaphoreType.DMA,
    ],
)
def _agg_kernel(src_hbm, dst_hbm, table_hbm, zeros_hbm, out_hbm,
                sidx, didx, rowsA, rowsB, acc, semA, semB, ssA, ssB):
    cid = lax.axis_index("c")
    sid = lax.axis_index("s")
    wid = cid * NS + sid

    row0 = sid * RPT
    pltpu.sync_copy(zeros_hbm.at[pl.ds(row0, RPT)], acc.at[pl.ds(row0, RPT)])
    pltpu.sync_copy(src_hbm.at[pl.ds(wid * EPT, EPT)], sidx)
    pltpu.sync_copy(dst_hbm.at[pl.ds(wid * EPT, EPT)], didx)
    plsc.subcore_barrier()

    def start_gather(j, buf, sem):
        pltpu.async_copy(table_hbm.at[sidx.at[pl.ds(j * EC, EC)]], buf, sem)

    def wait_gather(j, buf, sem):
        pltpu.make_async_copy(
            table_hbm.at[sidx.at[pl.ds(j * EC, EC)]], buf, sem).wait()

    def scatter(j, buf, sem):
        pltpu.async_copy(buf, acc.at[didx.at[pl.ds(j * EC, EC)]], sem,
                         add=True)

    def wait_scatter(buf, sem):
        pltpu.make_async_copy(buf, acc.at[didx.at[pl.ds(0, EC)]], sem).wait()

    start_gather(0, rowsA, semA)
    start_gather(1, rowsB, semB)

    def body(j2, carry):
        j = 2 * j2
        wait_gather(j, rowsA, semA)
        scatter(j, rowsA, ssA)
        wait_gather(j + 1, rowsB, semB)
        scatter(j + 1, rowsB, ssB)
        wait_scatter(rowsA, ssA)
        start_gather(j + 2, rowsA, semA)
        wait_scatter(rowsB, ssB)
        start_gather(j + 3, rowsB, semB)
        return carry

    lax.fori_loop(0, (NCHUNK - 2) // 2, body, 0)
    n = NCHUNK - 2
    wait_gather(n, rowsA, semA)
    scatter(n, rowsA, ssA)
    wait_gather(n + 1, rowsB, semB)
    scatter(n + 1, rowsB, ssB)
    wait_scatter(rowsA, ssA)
    wait_scatter(rowsB, ssB)
    plsc.subcore_barrier()

    pltpu.sync_copy(acc.at[pl.ds(row0, RPT)], out_hbm.at[cid, pl.ds(row0, RPT)])


_RB = 2048
_GRID = NP // _RB


def _deg_to_scale(dp_ref):
    d = jnp.sum(dp_ref[...], axis=0)
    return lax.rsqrt(jnp.maximum(d, 1.0))


def _scale_x_body(x_ref, dOp_ref, xa_ref):
    a = _deg_to_scale(dOp_ref)
    xa_ref[...] = x_ref[...] * a[:, None]


def _mid_body(aggp_ref, dOp_ref, dIp_ref, West_ref, best_ref, W1_ref, b1_ref,
              s_ref, h1a_ref):
    b = _deg_to_scale(dIp_ref)
    agg = (aggp_ref[0] + aggp_ref[1]) * b[:, None]
    s_ref[...] = jnp.dot(agg, West_ref[...],
                         preferred_element_type=jnp.float32) + best_ref[...]
    a = _deg_to_scale(dOp_ref)
    h1 = jnp.maximum(
        jnp.dot(agg, W1_ref[...], preferred_element_type=jnp.float32)
        + b1_ref[...], 0.0)
    h1a_ref[...] = h1 * a[:, None]


def _final_body(aggp_ref, dIp_ref, W2_ref, b2_ref, Wc_ref, bc_ref,
                z_ref, y_ref):
    b = _deg_to_scale(dIp_ref)
    agg = (aggp_ref[0] + aggp_ref[1]) * b[:, None]
    z = jnp.dot(agg, W2_ref[...],
                preferred_element_type=jnp.float32) + b2_ref[...]
    z_ref[...] = z
    y_ref[...] = jnp.dot(z, Wc_ref[...],
                         preferred_element_type=jnp.float32) + bc_ref[...]


def _row_spec(width):
    return pl.BlockSpec((_RB, width), lambda i: (i, 0))


def _degp_spec():
    return pl.BlockSpec((NW, _RB), lambda i: (0, i))


def _aggp_spec():
    return pl.BlockSpec((NC, _RB, F), lambda i: (0, i, 0))


def _full(shape):
    return pl.BlockSpec(shape, lambda i: tuple(0 for _ in shape))


def _pad_edges(e):
    e = jnp.asarray(e, jnp.int32).reshape(NW, EPT_RAW)
    npad = EPT - EPT_RAW
    pad = (jnp.arange(NW, dtype=jnp.int32)[:, None] * npad
           + jnp.arange(npad, dtype=jnp.int32)[None, :]) % (NP - N) + N
    return jnp.concatenate([e, pad], axis=1).reshape(-1)


def kernel(g, x, W_est, b_est, W1, b1, W2, b2, Wc, bc):
    src = _pad_edges(g[0])
    dst = _pad_edges(g[1])
    x = jnp.pad(jnp.asarray(x, jnp.float32), ((0, NP - N), (0, 0)))
    zeros_deg = jnp.zeros((NP,), jnp.float32)
    zeros_f = jnp.zeros((NP, F), jnp.float32)

    degO_p, degI_p = _deg_kernel(src, dst, zeros_deg)
    degO_p = degO_p.reshape(NW, NP)
    degI_p = degI_p.reshape(NW, NP)

    xa = pl.pallas_call(
        _scale_x_body,
        grid=(_GRID,),
        in_specs=[_row_spec(F), _degp_spec()],
        out_specs=_row_spec(F),
        out_shape=jax.ShapeDtypeStruct((NP, F), jnp.float32),
    )(x, degO_p)

    agg0_p = _agg_kernel(src, dst, xa, zeros_f)

    s, h1a = pl.pallas_call(
        _mid_body,
        grid=(_GRID,),
        in_specs=[
            _aggp_spec(), _degp_spec(), _degp_spec(),
            _full((F, 1)), _full((1, 1)), _full((F, F)), _full((1, F)),
        ],
        out_specs=[_row_spec(1), _row_spec(F)],
        out_shape=[
            jax.ShapeDtypeStruct((N, 1), jnp.float32),
            jax.ShapeDtypeStruct((NP, F), jnp.float32),
        ],
    )(agg0_p, degO_p, degI_p, W_est, b_est.reshape(1, 1), W1, b1.reshape(1, F))

    agg1_p = _agg_kernel(src, dst, h1a, zeros_f)

    z, y = pl.pallas_call(
        _final_body,
        grid=(_GRID,),
        in_specs=[
            _aggp_spec(), _degp_spec(),
            _full((F, F)), _full((1, F)), _full((F, 1)), _full((1, 1)),
        ],
        out_specs=[_row_spec(F), _row_spec(1)],
        out_shape=[
            jax.ShapeDtypeStruct((N, F), jnp.float32),
            jax.ShapeDtypeStruct((N, 1), jnp.float32),
        ],
    )(agg1_p, degI_p, W2, b2.reshape(1, F), Wc, bc.reshape(1, 1))

    return (s, z, y)

# --- scband reference (transcript-rebuilt; emitter-appended) ---
"""Pipeline reference for scband-fair-gnn-all-24438363914362 (READ-ONLY COPY).

The authoritative reference and input builder live on the scoring server;
editing this copy changes nothing except your own understanding.
"""

import jax, jax.numpy as jnp
import numpy as np

N_NODES = 10000
N_EDGES = 320000
NFEAT = 128
NUM_HIDDEN = 128
GNN_HIDDEN = 128


def setup_inputs(seed: int = 0) -> dict:
    key = jax.random.key(seed)
    ks = jax.random.split(key, 12)
    x = jax.random.normal(ks[0], (N_NODES, NFEAT), dtype=jnp.float32)
    g = jax.random.randint(ks[1], (2, N_EDGES), 0, N_NODES)
    # estimator: single GCN layer nfeat -> 1
    W_est = jax.random.normal(ks[2], (NFEAT, 1), dtype=jnp.float32) * 0.05
    b_est = jnp.zeros((1,), dtype=jnp.float32)
    # GNN: 2-layer GCN nfeat -> gnn_hidden -> num_hidden
    W1 = jax.random.normal(ks[3], (NFEAT, GNN_HIDDEN), dtype=jnp.float32) * 0.05
    b1 = jnp.zeros((GNN_HIDDEN,), dtype=jnp.float32)
    W2 = jax.random.normal(ks[4], (GNN_HIDDEN, NUM_HIDDEN), dtype=jnp.float32) * 0.05
    b2 = jnp.zeros((NUM_HIDDEN,), dtype=jnp.float32)
    # classifier: linear num_hidden -> 1
    Wc = jax.random.normal(ks[5], (NUM_HIDDEN, 1), dtype=jnp.float32) * 0.05
    bc = jnp.zeros((1,), dtype=jnp.float32)
    return {"g": g, "x": x, "W_est": W_est, "b_est": b_est, "W1": W1, "b1": b1, "W2": W2, "b2": b2, "Wc": Wc, "bc": bc}


def _gcn_layer(h, src, dst, W, b, n):
    ones = jnp.ones((src.shape[0],), dtype=jnp.float32)
    deg_out = jax.ops.segment_sum(ones, src, num_segments=n)
    deg_in = jax.ops.segment_sum(ones, dst, num_segments=n)
    norm = jax.lax.rsqrt(jnp.maximum(deg_out, 1.0)[src] * jnp.maximum(deg_in, 1.0)[dst])
    msg = h[src] * norm[:, None]
    agg = jax.ops.segment_sum(msg, dst, num_segments=n)
    return agg @ W + b


def reference(g, x, W_est, b_est, W1, b1, W2, b2, Wc, bc):
    src = g[0]
    dst = g[1]
    n = x.shape[0]
    # estimator branch: s = estimator(x, g)
    s = _gcn_layer(x, src, dst, W_est, b_est, n)
    # GNN branch: z = GNN(x, g) (2-layer GCN with relu between layers)
    h1 = jax.nn.relu(_gcn_layer(x, src, dst, W1, b1, n))
    z = _gcn_layer(h1, src, dst, W2, b2, n)
    # classifier: y = classifier(z)
    y = z @ Wc + bc
    return (s, z, y)

if __name__ == "__main__":
    import jax
    _d = setup_inputs()
    print(jax.jit(kernel)(*tuple(_d.values())))

</pallas_src>

<mosaic_0001>
#map = affine_map<(d0, d1) -> (0)>
#map1 = affine_map<(d0, d1) -> (0, 0)>
#map2 = affine_map<(d0, d1) -> (0, 0, 0)>
module attributes {stable_mosaic.version = 14 : i64} {
  func.func @_agg_kernel(%arg0: i32, %arg1: i32, %arg2: memref<322560xi32, #tpu.memory_space<hbm>>, %arg3: memref<322560xi32, #tpu.memory_space<hbm>>, %arg4: memref<10240x128xf32, #tpu.memory_space<hbm>>, %arg5: memref<10240x128xf32, #tpu.memory_space<hbm>>, %arg6: memref<2x10240x128xf32, #tpu.memory_space<hbm>>, %arg7: memref<10080xi32, #tpu.memory_space<vmem>>, %arg8: memref<10080xi32, #tpu.memory_space<vmem>>, %arg9: memref<80x128xf32, #tpu.memory_space<vmem>>, %arg10: memref<80x128xf32, #tpu.memory_space<vmem>>, %arg11: memref<10240x128xf32, #tpu.memory_space<vmem_shared>>, %arg12: memref<!tpu.dma_semaphore, #tpu.memory_space<semaphore_mem>>, %arg13: memref<!tpu.dma_semaphore, #tpu.memory_space<semaphore_mem>>, %arg14: memref<!tpu.dma_semaphore, #tpu.memory_space<semaphore_mem>>, %arg15: memref<!tpu.dma_semaphore, #tpu.memory_space<semaphore_mem>>) attributes {dimension_semantics = [#tpu.dimension_semantics<core_parallel>, #tpu.dimension_semantics<subcore_parallel>], iteration_bounds = array<i64: 2, 16>, scalar_prefetch = 0 : i64, scratch_operands = 9 : i64, tpu.core_type = #tpu.core_type<sc_vector_subcore>, window_params = [{transform_indices = #map}, {transform_indices = #map}, {transform_indices = #map1}, {transform_indices = #map1}, {transform_indices = #map2}]} {
    %mul3A = arith.constant 16 : i32
    %mul3A_0 = arith.muli %arg0, %mul3A : i32
    %add3A = arith.addi %mul3A_0, %arg1 : i32
    %mul3A_1 = arith.constant 640 : i32
    %mul3A_2 = arith.muli %arg1, %mul3A_1 : i32
    "tpu.region"() ({
      %run_scoped3A = tpu.sem_alloc : memref<!tpu.dma_semaphore, #tpu.memory_space<semaphore_mem>>
      %dma_start3A_51 = arith.constant 0 : i32
      %dma_start3A_52 = tpu.memref_slice %arg11[%mul3A_2, %dma_start3A_51] : memref<10240x128xf32, #tpu.memory_space<vmem_shared>> -> memref<640x128xf32, #tpu.memory_space<vmem_shared>>
      %dma_start3A_53 = arith.constant 0 : i32
      %dma_start3A_54 = tpu.memref_slice %arg5[%mul3A_2, %dma_start3A_53] : memref<10240x128xf32, #tpu.memory_space<hbm>> -> memref<640x128xf32, #tpu.memory_space<hbm>>
      tpu.enqueue_dma source(%dma_start3A_54 : memref<640x128xf32, #tpu.memory_space<hbm>>) target(%dma_start3A_52 : memref<640x128xf32, #tpu.memory_space<vmem_shared>>) target_semaphore(%run_scoped3A : memref<!tpu.dma_semaphore, #tpu.memory_space<semaphore_mem>>)
      %dma_wait3A_55 = arith.constant 0 : i32
      %dma_wait3A_56 = tpu.memref_slice %arg11[%mul3A_2, %dma_wait3A_55] : memref<10240x128xf32, #tpu.memory_space<vmem_shared>> -> memref<640x128xf32, #tpu.memory_space<vmem_shared>>
      %dma_wait3A_57 = arith.constant 0 : i32
      %dma_wait3A_58 = tpu.memref_slice %arg5[%mul3A_2, %dma_wait3A_57] : memref<10240x128xf32, #tpu.memory_space<hbm>> -> memref<640x128xf32, #tpu.memory_space<hbm>>
      tpu.wait_dma2 semaphore(%run_scoped3A : memref<!tpu.dma_semaphore, #tpu.memory_space<semaphore_mem>>) src(%dma_wait3A_58 : memref<640x128xf32, #tpu.memory_space<hbm>>) dst(%dma_wait3A_56 : memref<640x128xf32, #tpu.memory_space<vmem_shared>>)
      tpu.yield
    }) : () -> ()
    %mul3A_3 = arith.constant 10080 : i32
    %mul3A_4 = arith.muli %add3A, %mul3A_3 : i32
    "tpu.region"() ({
      %run_scoped3A = tpu.sem_alloc : memref<!tpu.dma_semaphore, #tpu.memory_space<semaphore_mem>>
      %dma_start3A_51 = tpu.memref_slice %arg2[%mul3A_4] : memref<322560xi32, #tpu.memory_space<hbm>> -> memref<10080xi32, #tpu.memory_space<hbm>>
      %dma_start3A_52 = tpu.memref_slice %arg2[%mul3A_4] : memref<322560xi32, #tpu.memory_space<hbm>> -> memref<10080xi32, #tpu.memory_space<hbm>>
      tpu.enqueue_dma source(%dma_start3A_52 : memref<10080xi32, #tpu.memory_space<hbm>>) target(%arg7 : memref<10080xi32, #tpu.memory_space<vmem>>) target_semaphore(%run_scoped3A : memref<!tpu.dma_semaphore, #tpu.memory_space<semaphore_mem>>)
      %dma_wait3A_53 = tpu.memref_slice %arg2[%mul3A_4] : memref<322560xi32, #tpu.memory_space<hbm>> -> memref<10080xi32, #tpu.memory_space<hbm>>
      %dma_wait3A_54 = tpu.memref_slice %arg2[%mul3A_4] : memref<322560xi32, #tpu.memory_space<hbm>> -> memref<10080xi32, #tpu.memory_space<hbm>>
      tpu.wait_dma2 semaphore(%run_scoped3A : memref<!tpu.dma_semaphore, #tpu.memory_space<semaphore_mem>>) src(%dma_wait3A_54 : memref<10080xi32, #tpu.memory_space<hbm>>) dst(%arg7 : memref<10080xi32, #tpu.memory_space<vmem>>)
      tpu.yield
    }) : () -> ()
    %mul3A_5 = arith.constant 10080 : i32
    %mul3A_6 = arith.muli %add3A, %mul3A_5 : i32
    "tpu.region"() ({
      %run_scoped3A = tpu.sem_alloc : memref<!tpu.dma_semaphore, #tpu.memory_space<semaphore_mem>>
      %dma_start3A_51 = tpu.memref_slice %arg3[%mul3A_6] : memref<322560xi32, #tpu.memory_space<hbm>> -> memref<10080xi32, #tpu.memory_space<hbm>>
      %dma_start3A_52 = tpu.memref_slice %arg3[%mul3A_6] : memref<322560xi32, #tpu.memory_space<hbm>> -> memref<10080xi32, #tpu.memory_space<hbm>>
      tpu.enqueue_dma source(%dma_start3A_52 : memref<10080xi32, #tpu.memory_space<hbm>>) target(%arg8 : memref<10080xi32, #tpu.memory_space<vmem>>) target_semaphore(%run_scoped3A : memref<!tpu.dma_semaphore, #tpu.memory_space<semaphore_mem>>)
      %dma_wait3A_53 = tpu.memref_slice %arg3[%mul3A_6] : memref<322560xi32, #tpu.memory_space<hbm>> -> memref<10080xi32, #tpu.memory_space<hbm>>
      %dma_wait3A_54 = tpu.memref_slice %arg3[%mul3A_6] : memref<322560xi32, #tpu.memory_space<hbm>> -> memref<10080xi32, #tpu.memory_space<hbm>>
      tpu.wait_dma2 semaphore(%run_scoped3A : memref<!tpu.dma_semaphore, #tpu.memory_space<semaphore_mem>>) src(%dma_wait3A_54 : memref<10080xi32, #tpu.memory_space<hbm>>) dst(%arg8 : memref<10080xi32, #tpu.memory_space<vmem>>)
      tpu.yield
    }) : () -> ()
    %barrier3A = arith.constant 0 : index
    tpu.barrier barrier_id(%barrier3A)
    %dma_start3A = arith.constant 0 : i32
    %dma_start3A_7 = tpu.memref_slice %arg7[%dma_start3A] : memref<10080xi32, #tpu.memory_space<vmem>> -> memref<80xi32, #tpu.memory_space<vmem>>
    %dma_start3A_8 = arith.constant 0 : i32
    %dma_start3A_9 = arith.constant 0 : i32
    %dma_start3A_10 = tpu.memref_slice %arg4[%dma_start3A_8, %dma_start3A_9] : memref<10240x128xf32, #tpu.memory_space<hbm>> -> memref<10240x128xf32, #tpu.memory_space<hbm>>
    tpu.enqueue_indirect_dma source(%dma_start3A_10 : memref<10240x128xf32, #tpu.memory_space<hbm>>) target(%arg9 : memref<80x128xf32, #tpu.memory_space<vmem>>) offsets(%dma_start3A_7 : memref<80xi32, #tpu.memory_space<vmem>>) semaphore(%arg12 : memref<!tpu.dma_semaphore, #tpu.memory_space<semaphore_mem>>)
    %dma_start3A_11 = arith.constant 80 : i32
    %dma_start3A_12 = tpu.memref_slice %arg7[%dma_start3A_11] : memref<10080xi32, #tpu.memory_space<vmem>> -> memref<80xi32, #tpu.memory_space<vmem>>
    %dma_start3A_13 = arith.constant 0 : i32
    %dma_start3A_14 = arith.constant 0 : i32
    %dma_start3A_15 = tpu.memref_slice %arg4[%dma_start3A_13, %dma_start3A_14] : memref<10240x128xf32, #tpu.memory_space<hbm>> -> memref<10240x128xf32, #tpu.memory_space<hbm>>
    tpu.enqueue_indirect_dma source(%dma_start3A_15 : memref<10240x128xf32, #tpu.memory_space<hbm>>) target(%arg10 : memref<80x128xf32, #tpu.memory_space<vmem>>) offsets(%dma_start3A_12 : memref<80xi32, #tpu.memory_space<vmem>>) semaphore(%arg13 : memref<!tpu.dma_semaphore, #tpu.memory_space<semaphore_mem>>)
    %scan3A = arith.constant 0 : i32
    %scan3A_16 = arith.constant 0 : i32
    %scan3A_17 = arith.constant 62 : i32
    %scan3A_18 = arith.addi %scan3A_16, %scan3A_17 : i32
    %scan3A_19 = arith.constant 1 : i32
    scf.for %scan3A_51 = %scan3A_16 to %scan3A_18 step %scan3A_19  : i32 {
      %mul3A_52 = arith.constant 2 : i32
      %mul3A_53 = arith.muli %mul3A_52, %scan3A_51 : i32
      %mul3A_54 = arith.constant 80 : i32
      %mul3A_55 = arith.muli %mul3A_53, %mul3A_54 : i32
      %dma_wait3A_56 = tpu.memref_slice %arg7[%mul3A_55] : memref<10080xi32, #tpu.memory_space<vmem>> -> memref<80xi32, #tpu.memory_space<vmem>>
      %dma_wait3A_57 = arith.constant 0 : i32
      %dma_wait3A_58 = arith.constant 0 : i32
      %dma_wait3A_59 = tpu.memref_slice %arg4[%dma_wait3A_57, %dma_wait3A_58] : memref<10240x128xf32, #tpu.memory_space<hbm>> -> memref<10240x128xf32, #tpu.memory_space<hbm>>
      tpu.wait_indirect_dma semaphore(%arg12 : memref<!tpu.dma_semaphore, #tpu.memory_space<semaphore_mem>>) src(%dma_wait3A_59 : memref<10240x128xf32, #tpu.memory_space<hbm>>) dst(%arg9 : memref<80x128xf32, #tpu.memory_space<vmem>>)
      %mul3A_60 = arith.constant 80 : i32
      %mul3A_61 = arith.muli %mul3A_53, %mul3A_60 : i32
      %dma_start3A_62 = tpu.memref_slice %arg8[%mul3A_61] : memref<10080xi32, #tpu.memory_space<vmem>> -> memref<80xi32, #tpu.memory_space<vmem>>
      %dma_start3A_63 = arith.constant 0 : i32
      %dma_start3A_64 = arith.constant 0 : i32
      %dma_start3A_65 = tpu.memref_slice %arg11[%dma_start3A_63, %dma_start3A_64] : memref<10240x128xf32, #tpu.memory_space<vmem_shared>> -> memref<10240x128xf32, #tpu.memory_space<vmem_shared>>
      tpu.enqueue_indirect_dma source(%arg9 : memref<80x128xf32, #tpu.memory_space<vmem>>) target(%dma_start3A_65 : memref<10240x128xf32, #tpu.memory_space<vmem_shared>>) offsets(%dma_start3A_62 : memref<80xi32, #tpu.memory_space<vmem>>) semaphore(%arg14 : memref<!tpu.dma_semaphore, #tpu.memory_space<semaphore_mem>>) {add = true}
      %add3A_66 = arith.constant 1 : i32
      %add3A_67 = arith.addi %mul3A_53, %add3A_66 : i32
      %mul3A_68 = arith.constant 80 : i32
      %mul3A_69 = arith.muli %add3A_67, %mul3A_68 : i32
      %dma_wait3A_70 = tpu.memref_slice %arg7[%mul3A_69] : memref<10080xi32, #tpu.memory_space<vmem>> -> memref<80xi32, #tpu.memory_space<vmem>>
      %dma_wait3A_71 = arith.constant 0 : i32
      %dma_wait3A_72 = arith.constant 0 : i32
      %dma_wait3A_73 = tpu.memref_slice %arg4[%dma_wait3A_71, %dma_wait3A_72] : memref<10240x128xf32, #tpu.memory_space<hbm>> -> memref<10240x128xf32, #tpu.memory_space<hbm>>
      tpu.wait_indirect_dma semaphore(%arg13 : memref<!tpu.dma_semaphore, #tpu.memory_space<semaphore_mem>>) src(%dma_wait3A_73 : memref<10240x128xf32, #tpu.memory_space<hbm>>) dst(%arg10 : memref<80x128xf32, #tpu.memory_space<vmem>>)
      %add3A_74 = arith.constant 1 : i32
      %add3A_75 = arith.addi %mul3A_53, %add3A_74 : i32
      %mul3A_76 = arith.constant 80 : i32
      %mul3A_77 = arith.muli %add3A_75, %mul3A_76 : i32
      %dma_start3A_78 = tpu.memref_slice %arg8[%mul3A_77] : memref<10080xi32, #tpu.memory_space<vmem>> -> memref<80xi32, #tpu.memory_space<vmem>>
      %dma_start3A_79 = arith.constant 0 : i32
      %dma_start3A_80 = arith.constant 0 : i32
      %dma_start3A_81 = tpu.memref_slice %arg11[%dma_start3A_79, %dma_start3A_80] : memref<10240x128xf32, #tpu.memory_space<vmem_shared>> -> memref<10240x128xf32, #tpu.memory_space<vmem_shared>>
      tpu.enqueue_indirect_dma source(%arg10 : memref<80x128xf32, #tpu.memory_space<vmem>>) target(%dma_start3A_81 : memref<10240x128xf32, #tpu.memory_space<vmem_shared>>) offsets(%dma_start3A_78 : memref<80xi32, #tpu.memory_space<vmem>>) semaphore(%arg15 : memref<!tpu.dma_semaphore, #tpu.memory_space<semaphore_mem>>) {add = true}
      %dma_wait3A_82 = arith.constant 0 : i32
      %dma_wait3A_83 = tpu.memref_slice %arg8[%dma_wait3A_82] : memref<10080xi32, #tpu.memory_space<vmem>> -> memref<80xi32, #tpu.memory_space<vmem>>
      %dma_wait3A_84 = arith.constant 0 : i32
      %dma_wait3A_85 = arith.constant 0 : i32
      %dma_wait3A_86 = tpu.memref_slice %arg11[%dma_wait3A_84, %dma_wait3A_85] : memref<10240x128xf32, #tpu.memory_space<vmem_shared>> -> memref<10240x128xf32, #tpu.memory_space<vmem_shared>>
      tpu.wait_indirect_dma semaphore(%arg14 : memref<!tpu.dma_semaphore, #tpu.memory_space<semaphore_mem>>) src(%arg9 : memref<80x128xf32, #tpu.memory_space<vmem>>) dst(%dma_wait3A_86 : memref<10240x128xf32, #tpu.memory_space<vmem_shared>>)
      %add3A_87 = arith.constant 2 : i32
      %add3A_88 = arith.addi %mul3A_53, %add3A_87 : i32
      %mul3A_89 = arith.constant 80 : i32
      %mul3A_90 = arith.muli %add3A_88, %mul3A_89 : i32
      %dma_start3A_91 = tpu.memref_slice %arg7[%mul3A_90] : memref<10080xi32, #tpu.memory_space<vmem>> -> memref<80xi32, #tpu.memory_space<vmem>>
      %dma_start3A_92 = arith.constant 0 : i32
      %dma_start3A_93 = arith.constant 0 : i32
      %dma_start3A_94 = tpu.memref_slice %arg4[%dma_start3A_92, %dma_start3A_93] : memref<10240x128xf32, #tpu.memory_space<hbm>> -> memref<10240x128xf32, #tpu.memory_space<hbm>>
      tpu.enqueue_indirect_dma source(%dma_start3A_94 : memref<10240x128xf32, #tpu.memory_space<hbm>>) target(%arg9 : memref<80x128xf32, #tpu.memory_space<vmem>>) offsets(%dma_start3A_91 : memref<80xi32, #tpu.memory_space<vmem>>) semaphore(%arg12 : memref<!tpu.dma_semaphore, #tpu.memory_space<semaphore_mem>>)
      %dma_wait3A_95 = arith.constant 0 : i32
      %dma_wait3A_96 = tpu.memref_slice %arg8[%dma_wait3A_95] : memref<10080xi32, #tpu.memory_space<vmem>> -> memref<80xi32, #tpu.memory_space<vmem>>
      %dma_wait3A_97 = arith.constant 0 : i32
      %dma_wait3A_98 = arith.constant 0 : i32
      %dma_wait3A_99 = tpu.memref_slice %arg11[%dma_wait3A_97, %dma_wait3A_98] : memref<10240x128xf32, #tpu.memory_space<vmem_shared>> -> memref<10240x128xf32, #tpu.memory_space<vmem_shared>>
      tpu.wait_indirect_dma semaphore(%arg15 : memref<!tpu.dma_semaphore, #tpu.memory_space<semaphore_mem>>) src(%arg10 : memref<80x128xf32, #tpu.memory_space<vmem>>) dst(%dma_wait3A_99 : memref<10240x128xf32, #tpu.memory_space<vmem_shared>>)
      %add3A_100 = arith.constant 3 : i32
      %add3A_101 = arith.addi %mul3A_53, %add3A_100 : i32
      %mul3A_102 = arith.constant 80 : i32
      %mul3A_103 = arith.muli %add3A_101, %mul3A_102 : i32
      %dma_start3A_104 = tpu.memref_slice %arg7[%mul3A_103] : memref<10080xi32, #tpu.memory_space<vmem>> -> memref<80xi32, #tpu.memory_space<vmem>>
      %dma_start3A_105 = arith.constant 0 : i32
      %dma_start3A_106 = arith.constant 0 : i32
      %dma_start3A_107 = tpu.memref_slice %arg4[%dma_start3A_105, %dma_start3A_106] : memref<10240x128xf32, #tpu.memory_space<hbm>> -> memref<10240x128xf32, #tpu.memory_space<hbm>>
      tpu.enqueue_indirect_dma source(%dma_start3A_107 : memref<10240x128xf32, #tpu.memory_space<hbm>>) target(%arg10 : memref<80x128xf32, #tpu.memory_space<vmem>>) offsets(%dma_start3A_104 : memref<80xi32, #tpu.memory_space<vmem>>) semaphore(%arg13 : memref<!tpu.dma_semaphore, #tpu.memory_space<semaphore_mem>>)
    }
    %scan3A_20 = arith.constant 62 : i32
    %dma_wait3A = arith.constant 9920 : i32
    %dma_wait3A_21 = tpu.memref_slice %arg7[%dma_wait3A] : memref<10080xi32, #tpu.memory_space<vmem>> -> memref<80xi32, #tpu.memory_space<vmem>>
    %dma_wait3A_22 = arith.constant 0 : i32
    %dma_wait3A_23 = arith.constant 0 : i32
    %dma_wait3A_24 = tpu.memref_slice %arg4[%dma_wait3A_22, %dma_wait3A_23] : memref<10240x128xf32, #tpu.memory_space<hbm>> -> memref<10240x128xf32, #tpu.memory_space<hbm>>
    tpu.wait_indirect_dma semaphore(%arg12 : memref<!tpu.dma_semaphore, #tpu.memory_space<semaphore_mem>>) src(%dma_wait3A_24 : memref<10240x128xf32, #tpu.memory_space<hbm>>) dst(%arg9 : memref<80x128xf32, #tpu.memory_space<vmem>>)
    %dma_start3A_25 = arith.constant 9920 : i32
    %dma_start3A_26 = tpu.memref_slice %arg8[%dma_start3A_25] : memref<10080xi32, #tpu.memory_space<vmem>> -> memref<80xi32, #tpu.memory_space<vmem>>
    %dma_start3A_27 = arith.constant 0 : i32
    %dma_start3A_28 = arith.constant 0 : i32
    %dma_start3A_29 = tpu.memref_slice %arg11[%dma_start3A_27, %dma_start3A_28] : memref<10240x128xf32, #tpu.memory_space<vmem_shared>> -> memref<10240x128xf32, #tpu.memory_space<vmem_shared>>
    tpu.enqueue_indirect_dma source(%arg9 : memref<80x128xf32, #tpu.memory_space<vmem>>) target(%dma_start3A_29 : memref<10240x128xf32, #tpu.memory_space<vmem_shared>>) offsets(%dma_start3A_26 : memref<80xi32, #tpu.memory_space<vmem>>) semaphore(%arg14 : memref<!tpu.dma_semaphore, #tpu.memory_space<semaphore_mem>>) {add = true}
    %dma_wait3A_30 = arith.constant 10000 : i32
    %dma_wait3A_31 = tpu.memref_slice %arg7[%dma_wait3A_30] : memref<10080xi32, #tpu.memory_space<vmem>> -> memref<80xi32, #tpu.memory_space<vmem>>
    %dma_wait3A_32 = arith.constant 0 : i32
    %dma_wait3A_33 = arith.constant 0 : i32
    %dma_wait3A_34 = tpu.memref_slice %arg4[%dma_wait3A_32, %dma_wait3A_33] : memref<10240x128xf32, #tpu.memory_space<hbm>> -> memref<10240x128xf32, #tpu.memory_space<hbm>>
    tpu.wait_indirect_dma semaphore(%arg13 : memref<!tpu.dma_semaphore, #tpu.memory_space<semaphore_mem>>) src(%dma_wait3A_34 : memref<10240x128xf32, #tpu.memory_space<hbm>>) dst(%arg10 : memref<80x128xf32, #tpu.memory_space<vmem>>)
    %dma_start3A_35 = arith.constant 10000 : i32
    %dma_start3A_36 = tpu.memref_slice %arg8[%dma_start3A_35] : memref<10080xi32, #tpu.memory_space<vmem>> -> memref<80xi32, #tpu.memory_space<vmem>>
    %dma_start3A_37 = arith.constant 0 : i32
    %dma_start3A_38 = arith.constant 0 : i32
    %dma_start3A_39 = tpu.memref_slice %arg11[%dma_start3A_37, %dma_start3A_38] : memref<10240x128xf32, #tpu.memory_space<vmem_shared>> -> memref<10240x128xf32, #tpu.memory_space<vmem_shared>>
    tpu.enqueue_indirect_dma source(%arg10 : memref<80x128xf32, #tpu.memory_space<vmem>>) target(%dma_start3A_39 : memref<10240x128xf32, #tpu.memory_space<vmem_shared>>) offsets(%dma_start3A_36 : memref<80xi32, #tpu.memory_space<vmem>>) semaphore(%arg15 : memref<!tpu.dma_semaphore, #tpu.memory_space<semaphore_mem>>) {add = true}
    %dma_wait3A_40 = arith.constant 0 : i32
    %dma_wait3A_41 = tpu.memref_slice %arg8[%dma_wait3A_40] : memref<10080xi32, #tpu.memory_space<vmem>> -> memref<80xi32, #tpu.memory_space<vmem>>
    %dma_wait3A_42 = arith.constant 0 : i32
    %dma_wait3A_43 = arith.constant 0 : i32
    %dma_wait3A_44 = tpu.memref_slice %arg11[%dma_wait3A_42, %dma_wait3A_43] : memref<10240x128xf32, #tpu.memory_space<vmem_shared>> -> memref<10240x128xf32, #tpu.memory_space<vmem_shared>>
    tpu.wait_indirect_dma semaphore(%arg14 : memref<!tpu.dma_semaphore, #tpu.memory_space<semaphore_mem>>) src(%arg9 : memref<80x128xf32, #tpu.memory_space<vmem>>) dst(%dma_wait3A_44 : memref<10240x128xf32, #tpu.memory_space<vmem_shared>>)
    %dma_wait3A_45 = arith.constant 0 : i32
    %dma_wait3A_46 = tpu.memref_slice %arg8[%dma_wait3A_45] : memref<10080xi32, #tpu.memory_space<vmem>> -> memref<80xi32, #tpu.memory_space<vmem>>
    %dma_wait3A_47 = arith.constant 0 : i32
    %dma_wait3A_48 = arith.constant 0 : i32
    %dma_wait3A_49 = tpu.memref_slice %arg11[%dma_wait3A_47, %dma_wait3A_48] : memref<10240x128xf32, #tpu.memory_space<vmem_shared>> -> memref<10240x128xf32, #tpu.memory_space<vmem_shared>>
    tpu.wait_indirect_dma semaphore(%arg15 : memref<!tpu.dma_semaphore, #tpu.memory_space<semaphore_mem>>) src(%arg10 : memref<80x128xf32, #tpu.memory_space<vmem>>) dst(%dma_wait3A_49 : memref<10240x128xf32, #tpu.memory_space<vmem_shared>>)
    %barrier3A_50 = arith.constant 0 : index
    tpu.barrier barrier_id(%barrier3A_50)
    "tpu.region"() ({
      %run_scoped3A = tpu.sem_alloc : memref<!tpu.dma_semaphore, #tpu.memory_space<semaphore_mem>>
      %dma_start3A_51 = arith.constant 0 : i32
      %dma_start3A_52 = tpu.memref_slice %arg6[%arg0, %mul3A_2, %dma_start3A_51] : memref<2x10240x128xf32, #tpu.memory_space<hbm>> -> memref<1x640x128xf32, #tpu.memory_space<hbm>>
      %dma_start3A_53 = tpu.memref_squeeze %dma_start3A_52 : memref<1x640x128xf32, #tpu.memory_space<hbm>> -> memref<640x128xf32, #tpu.memory_space<hbm>>
      %dma_start3A_54 = arith.constant 0 : i32
      %dma_start3A_55 = tpu.memref_slice %arg11[%mul3A_2, %dma_start3A_54] : memref<10240x128xf32, #tpu.memory_space<vmem_shared>> -> memref<640x128xf32, #tpu.memory_space<vmem_shared>>
      tpu.enqueue_dma source(%dma_start3A_55 : memref<640x128xf32, #tpu.memory_space<vmem_shared>>) target(%dma_start3A_53 : memref<640x128xf32, #tpu.memory_space<hbm>>) target_semaphore(%run_scoped3A : memref<!tpu.dma_semaphore, #tpu.memory_space<semaphore_mem>>)
      %dma_wait3A_56 = arith.constant 0 : i32
      %dma_wait3A_57 = tpu.memref_slice %arg6[%arg0, %mul3A_2, %dma_wait3A_56] : memref<2x10240x128xf32, #tpu.memory_space<hbm>> -> memref<1x640x128xf32, #tpu.memory_space<hbm>>
      %dma_wait3A_58 = tpu.memref_squeeze %dma_wait3A_57 : memref<1x640x128xf32, #tpu.memory_space<hbm>> -> memref<640x128xf32, #tpu.memory_space<hbm>>
      %dma_wait3A_59 = arith.constant 0 : i32
      %dma_wait3A_60 = tpu.memref_slice %arg11[%mul3A_2, %dma_wait3A_59] : memref<10240x128xf32, #tpu.memory_space<vmem_shared>> -> memref<640x128xf32, #tpu.memory_space<vmem_shared>>
      tpu.wait_dma2 semaphore(%run_scoped3A : memref<!tpu.dma_semaphore, #tpu.memory_space<semaphore_mem>>) src(%dma_wait3A_60 : memref<640x128xf32, #tpu.memory_space<vmem_shared>>) dst(%dma_wait3A_58 : memref<640x128xf32, #tpu.memory_space<hbm>>)
      tpu.yield
    }) : () -> ()
    return
  }
}

#map = affine_map<(d0, d1) -> (0)>
module attributes {stable_mosaic.version = 14 : i64} {
  func.func @_deg_kernel(%arg0: i32, %arg1: i32, %arg2: memref<322560xi32, #tpu.memory_space<hbm>>, %arg3: memref<322560xi32, #tpu.memory_space<hbm>>, %arg4: memref<10240xf32, #tpu.memory_space<hbm>>, %arg5: memref<327680xf32, #tpu.memory_space<hbm>>, %arg6: memref<327680xf32, #tpu.memory_space<hbm>>, %arg7: memref<10080xi32, #tpu.memory_space<vmem>>, %arg8: memref<10080xi32, #tpu.memory_space<vmem>>, %arg9: memref<10240xf32, #tpu.memory_space<vmem>>, %arg10: memref<10240xf32, #tpu.memory_space<vmem>>) attributes {dimension_semantics = [#tpu.dimension_semantics<core_parallel>, #tpu.dimension_semantics<subcore_parallel>], iteration_bounds = array<i64: 2, 16>, scalar_prefetch = 0 : i64, scratch_operands = 4 : i64, tpu.core_type = #tpu.core_type<sc_vector_subcore>, window_params = [{transform_indices = #map}, {transform_indices = #map}, {transform_indices = #map}, {transform_indices = #map}, {transform_indices = #map}]} {
    %mul3A = arith.constant 16 : i32
    %mul3A_0 = arith.muli %arg0, %mul3A : i32
    %add3A = arith.addi %mul3A_0, %arg1 : i32
    "tpu.region"() ({
      %run_scoped3A = tpu.sem_alloc : memref<!tpu.dma_semaphore, #tpu.memory_space<semaphore_mem>>
      tpu.enqueue_dma source(%arg4 : memref<10240xf32, #tpu.memory_space<hbm>>) target(%arg9 : memref<10240xf32, #tpu.memory_space<vmem>>) target_semaphore(%run_scoped3A : memref<!tpu.dma_semaphore, #tpu.memory_space<semaphore_mem>>)
      tpu.wait_dma2 semaphore(%run_scoped3A : memref<!tpu.dma_semaphore, #tpu.memory_space<semaphore_mem>>) src(%arg4 : memref<10240xf32, #tpu.memory_space<hbm>>) dst(%arg9 : memref<10240xf32, #tpu.memory_space<vmem>>)
      tpu.yield
    }) : () -> ()
    "tpu.region"() ({
      %run_scoped3A = tpu.sem_alloc : memref<!tpu.dma_semaphore, #tpu.memory_space<semaphore_mem>>
      tpu.enqueue_dma source(%arg4 : memref<10240xf32, #tpu.memory_space<hbm>>) target(%arg10 : memref<10240xf32, #tpu.memory_space<vmem>>) target_semaphore(%run_scoped3A : memref<!tpu.dma_semaphore, #tpu.memory_space<semaphore_mem>>)
      tpu.wait_dma2 semaphore(%run_scoped3A : memref<!tpu.dma_semaphore, #tpu.memory_space<semaphore_mem>>) src(%arg4 : memref<10240xf32, #tpu.memory_space<hbm>>) dst(%arg10 : memref<10240xf32, #tpu.memory_space<vmem>>)
      tpu.yield
    }) : () -> ()
    %mul3A_1 = arith.constant 10080 : i32
    %mul3A_2 = arith.muli %add3A, %mul3A_1 : i32
    "tpu.region"() ({
      %run_scoped3A = tpu.sem_alloc : memref<!tpu.dma_semaphore, #tpu.memory_space<semaphore_mem>>
      %dma_start3A = tpu.memref_slice %arg2[%mul3A_2] : memref<322560xi32, #tpu.memory_space<hbm>> -> memref<10080xi32, #tpu.memory_space<hbm>>
      %dma_start3A_15 = tpu.memref_slice %arg2[%mul3A_2] : memref<322560xi32, #tpu.memory_space<hbm>> -> memref<10080xi32, #tpu.memory_space<hbm>>
      tpu.enqueue_dma source(%dma_start3A_15 : memref<10080xi32, #tpu.memory_space<hbm>>) target(%arg7 : memref<10080xi32, #tpu.memory_space<vmem>>) target_semaphore(%run_scoped3A : memref<!tpu.dma_semaphore, #tpu.memory_space<semaphore_mem>>)
      %dma_wait3A = tpu.memref_slice %arg2[%mul3A_2] : memref<322560xi32, #tpu.memory_space<hbm>> -> memref<10080xi32, #tpu.memory_space<hbm>>
      %dma_wait3A_16 = tpu.memref_slice %arg2[%mul3A_2] : memref<322560xi32, #tpu.memory_space<hbm>> -> memref<10080xi32, #tpu.memory_space<hbm>>
      tpu.wait_dma2 semaphore(%run_scoped3A : memref<!tpu.dma_semaphore, #tpu.memory_space<semaphore_mem>>) src(%dma_wait3A_16 : memref<10080xi32, #tpu.memory_space<hbm>>) dst(%arg7 : memref<10080xi32, #tpu.memory_space<vmem>>)
      tpu.yield
    }) : () -> ()
    %mul3A_3 = arith.constant 10080 : i32
    %mul3A_4 = arith.muli %add3A, %mul3A_3 : i32
    "tpu.region"() ({
      %run_scoped3A = tpu.sem_alloc : memref<!tpu.dma_semaphore, #tpu.memory_space<semaphore_mem>>
      %dma_start3A = tpu.memref_slice %arg3[%mul3A_4] : memref<322560xi32, #tpu.memory_space<hbm>> -> memref<10080xi32, #tpu.memory_space<hbm>>
      %dma_start3A_15 = tpu.memref_slice %arg3[%mul3A_4] : memref<322560xi32, #tpu.memory_space<hbm>> -> memref<10080xi32, #tpu.memory_space<hbm>>
      tpu.enqueue_dma source(%dma_start3A_15 : memref<10080xi32, #tpu.memory_space<hbm>>) target(%arg8 : memref<10080xi32, #tpu.memory_space<vmem>>) target_semaphore(%run_scoped3A : memref<!tpu.dma_semaphore, #tpu.memory_space<semaphore_mem>>)
      %dma_wait3A = tpu.memref_slice %arg3[%mul3A_4] : memref<322560xi32, #tpu.memory_space<hbm>> -> memref<10080xi32, #tpu.memory_space<hbm>>
      %dma_wait3A_16 = tpu.memref_slice %arg3[%mul3A_4] : memref<322560xi32, #tpu.memory_space<hbm>> -> memref<10080xi32, #tpu.memory_space<hbm>>
      tpu.wait_dma2 semaphore(%run_scoped3A : memref<!tpu.dma_semaphore, #tpu.memory_space<semaphore_mem>>) src(%dma_wait3A_16 : memref<10080xi32, #tpu.memory_space<hbm>>) dst(%arg8 : memref<10080xi32, #tpu.memory_space<vmem>>)
      tpu.yield
    }) : () -> ()
    %broadcast_in_dim3A = arith.constant 1.000000e+00 : f32
    %broadcast_in_dim3A_5 = vector.broadcast %broadcast_in_dim3A : f32 to vector<16xf32>
    %scan3A = arith.constant 0 : i32
    %scan3A_6 = arith.constant 0 : i32
    %scan3A_7 = arith.constant 630 : i32
    %scan3A_8 = arith.addi %scan3A_6, %scan3A_7 : i32
    %scan3A_9 = arith.constant 1 : i32
    scf.for %scan3A_15 = %scan3A_6 to %scan3A_8 step %scan3A_9  : i32 {
      %mul3A_16 = arith.constant 16 : i32
      %mul3A_17 = arith.muli %scan3A_15, %mul3A_16 : i32
      %get3A = arith.index_cast %mul3A_17 : i32 to index
      %get3A_18 = tpu.vector_load %arg7[%get3A] {strides = array<i32>} : memref<10080xi32, #tpu.memory_space<vmem>>, vector<16xi32>,
      tpu.vector_store_idx %arg9[%get3A_18], %broadcast_in_dim3A_5 {add = true} : memref<10240xf32, #tpu.memory_space<vmem>>[vector<16xi32>], vector<16xf32>,
      %mul3A_19 = arith.constant 16 : i32
      %mul3A_20 = arith.muli %scan3A_15, %mul3A_19 : i32
      %get3A_21 = arith.index_cast %mul3A_20 : i32 to index
      %get3A_22 = tpu.vector_load %arg8[%get3A_21] {strides = array<i32>} : memref<10080xi32, #tpu.memory_space<vmem>>, vector<16xi32>,
      tpu.vector_store_idx %arg10[%get3A_22], %broadcast_in_dim3A_5 {add = true} : memref<10240xf32, #tpu.memory_space<vmem>>[vector<16xi32>], vector<16xf32>,
    }
    %scan3A_10 = arith.constant 630 : i32
    %mul3A_11 = arith.constant 10240 : i32
    %mul3A_12 = arith.muli %add3A, %mul3A_11 : i32
    "tpu.region"() ({
      %run_scoped3A = tpu.sem_alloc : memref<!tpu.dma_semaphore, #tpu.memory_space<semaphore_mem>>
      %dma_start3A = tpu.memref_slice %arg5[%mul3A_12] : memref<327680xf32, #tpu.memory_space<hbm>> -> memref<10240xf32, #tpu.memory_space<hbm>>
      %dma_start3A_15 = tpu.memref_slice %arg5[%mul3A_12] : memref<327680xf32, #tpu.memory_space<hbm>> -> memref<10240xf32, #tpu.memory_space<hbm>>
      tpu.enqueue_dma source(%arg9 : memref<10240xf32, #tpu.memory_space<vmem>>) target(%dma_start3A_15 : memref<10240xf32, #tpu.memory_space<hbm>>) target_semaphore(%run_scoped3A : memref<!tpu.dma_semaphore, #tpu.memory_space<semaphore_mem>>)
      %dma_wait3A = tpu.memref_slice %arg5[%mul3A_12] : memref<327680xf32, #tpu.memory_space<hbm>> -> memref<10240xf32, #tpu.memory_space<hbm>>
      %dma_wait3A_16 = tpu.memref_slice %arg5[%mul3A_12] : memref<327680xf32, #tpu.memory_space<hbm>> -> memref<10240xf32, #tpu.memory_space<hbm>>
      tpu.wait_dma2 semaphore(%run_scoped3A : memref<!tpu.dma_semaphore, #tpu.memory_space<semaphore_mem>>) src(%arg9 : memref<10240xf32, #tpu.memory_space<vmem>>) dst(%dma_wait3A_16 : memref<10240xf32, #tpu.memory_space<hbm>>)
      tpu.yield
    }) : () -> ()
    %mul3A_13 = arith.constant 10240 : i32
    %mul3A_14 = arith.muli %add3A, %mul3A_13 : i32
    "tpu.region"() ({
      %run_scoped3A = tpu.sem_alloc : memref<!tpu.dma_semaphore, #tpu.memory_space<semaphore_mem>>
      %dma_start3A = tpu.memref_slice %arg6[%mul3A_14] : memref<327680xf32, #tpu.memory_space<hbm>> -> memref<10240xf32, #tpu.memory_space<hbm>>
      %dma_start3A_15 = tpu.memref_slice %arg6[%mul3A_14] : memref<327680xf32, #tpu.memory_space<hbm>> -> memref<10240xf32, #tpu.memory_space<hbm>>
      tpu.enqueue_dma source(%arg10 : memref<10240xf32, #tpu.memory_space<vmem>>) target(%dma_start3A_15 : memref<10240xf32, #tpu.memory_space<hbm>>) target_semaphore(%run_scoped3A : memref<!tpu.dma_semaphore, #tpu.memory_space<semaphore_mem>>)
      %dma_wait3A = tpu.memref_slice %arg6[%mul3A_14] : memref<327680xf32, #tpu.memory_space<hbm>> -> memref<10240xf32, #tpu.memory_space<hbm>>
      %dma_wait3A_16 = tpu.memref_slice %arg6[%mul3A_14] : memref<327680xf32, #tpu.memory_space<hbm>> -> memref<10240xf32, #tpu.memory_space<hbm>>
      tpu.wait_dma2 semaphore(%run_scoped3A : memref<!tpu.dma_semaphore, #tpu.memory_space<semaphore_mem>>) src(%arg10 : memref<10240xf32, #tpu.memory_space<vmem>>) dst(%dma_wait3A_16 : memref<10240xf32, #tpu.memory_space<hbm>>)
      tpu.yield
    }) : () -> ()
    return
  }
}

#map = affine_map<(d0, d1) -> (0)>
#map1 = affine_map<(d0, d1) -> (0, 0)>
#map2 = affine_map<(d0, d1) -> (0, 0, 0)>
module attributes {stable_mosaic.version = 14 : i64} {
  func.func @_agg_kernel(%arg0: i32, %arg1: i32, %arg2: memref<322560xi32, #tpu.memory_space<hbm>>, %arg3: memref<322560xi32, #tpu.memory_space<hbm>>, %arg4: memref<10240x128xf32, #tpu.memory_space<hbm>>, %arg5: memref<10240x128xf32, #tpu.memory_space<hbm>>, %arg6: memref<2x10240x128xf32, #tpu.memory_space<hbm>>, %arg7: memref<10080xi32, #tpu.memory_space<vmem>>, %arg8: memref<10080xi32, #tpu.memory_space<vmem>>, %arg9: memref<80x128xf32, #tpu.memory_space<vmem>>, %arg10: memref<80x128xf32, #tpu.memory_space<vmem>>, %arg11: memref<10240x128xf32, #tpu.memory_space<vmem_shared>>, %arg12: memref<!tpu.dma_semaphore, #tpu.memory_space<semaphore_mem>>, %arg13: memref<!tpu.dma_semaphore, #tpu.memory_space<semaphore_mem>>, %arg14: memref<!tpu.dma_semaphore, #tpu.memory_space<semaphore_mem>>, %arg15: memref<!tpu.dma_semaphore, #tpu.memory_space<semaphore_mem>>) attributes {dimension_semantics = [#tpu.dimension_semantics<core_parallel>, #tpu.dimension_semantics<subcore_parallel>], iteration_bounds = array<i64: 2, 16>, scalar_prefetch = 0 : i64, scratch_operands = 9 : i64, tpu.core_type = #tpu.core_type<sc_vector_subcore>, window_params = [{transform_indices = #map}, {transform_indices = #map}, {transform_indices = #map1}, {transform_indices = #map1}, {transform_indices = #map2}]} {
    %mul3A = arith.constant 16 : i32
    %mul3A_0 = arith.muli %arg0, %mul3A : i32
    %add3A = arith.addi %mul3A_0, %arg1 : i32
    %mul3A_1 = arith.constant 640 : i32
    %mul3A_2 = arith.muli %arg1, %mul3A_1 : i32
    "tpu.region"() ({
      %run_scoped3A = tpu.sem_alloc : memref<!tpu.dma_semaphore, #tpu.memory_space<semaphore_mem>>
      %dma_start3A_51 = arith.constant 0 : i32
      %dma_start3A_52 = tpu.memref_slice %arg11[%mul3A_2, %dma_start3A_51] : memref<10240x128xf32, #tpu.memory_space<vmem_shared>> -> memref<640x128xf32, #tpu.memory_space<vmem_shared>>
      %dma_start3A_53 = arith.constant 0 : i32
      %dma_start3A_54 = tpu.memref_slice %arg5[%mul3A_2, %dma_start3A_53] : memref<10240x128xf32, #tpu.memory_space<hbm>> -> memref<640x128xf32, #tpu.memory_space<hbm>>
      tpu.enqueue_dma source(%dma_start3A_54 : memref<640x128xf32, #tpu.memory_space<hbm>>) target(%dma_start3A_52 : memref<640x128xf32, #tpu.memory_space<vmem_shared>>) target_semaphore(%run_scoped3A : memref<!tpu.dma_semaphore, #tpu.memory_space<semaphore_mem>>)
      %dma_wait3A_55 = arith.constant 0 : i32
      %dma_wait3A_56 = tpu.memref_slice %arg11[%mul3A_2, %dma_wait3A_55] : memref<10240x128xf32, #tpu.memory_space<vmem_shared>> -> memref<640x128xf32, #tpu.memory_space<vmem_shared>>
      %dma_wait3A_57 = arith.constant 0 : i32
      %dma_wait3A_58 = tpu.memref_slice %arg5[%mul3A_2, %dma_wait3A_57] : memref<10240x128xf32, #tpu.memory_space<hbm>> -> memref<640x128xf32, #tpu.memory_space<hbm>>
      tpu.wait_dma2 semaphore(%run_scoped3A : memref<!tpu.dma_semaphore, #tpu.memory_space<semaphore_mem>>) src(%dma_wait3A_58 : memref<640x128xf32, #tpu.memory_space<hbm>>) dst(%dma_wait3A_56 : memref<640x128xf32, #tpu.memory_space<vmem_shared>>)
      tpu.yield
    }) : () -> ()
    %mul3A_3 = arith.constant 10080 : i32
    %mul3A_4 = arith.muli %add3A, %mul3A_3 : i32
    "tpu.region"() ({
      %run_scoped3A = tpu.sem_alloc : memref<!tpu.dma_semaphore, #tpu.memory_space<semaphore_mem>>
      %dma_start3A_51 = tpu.memref_slice %arg2[%mul3A_4] : memref<322560xi32, #tpu.memory_space<hbm>> -> memref<10080xi32, #tpu.memory_space<hbm>>
      %dma_start3A_52 = tpu.memref_slice %arg2[%mul3A_4] : memref<322560xi32, #tpu.memory_space<hbm>> -> memref<10080xi32, #tpu.memory_space<hbm>>
      tpu.enqueue_dma source(%dma_start3A_52 : memref<10080xi32, #tpu.memory_space<hbm>>) target(%arg7 : memref<10080xi32, #tpu.memory_space<vmem>>) target_semaphore(%run_scoped3A : memref<!tpu.dma_semaphore, #tpu.memory_space<semaphore_mem>>)
      %dma_wait3A_53 = tpu.memref_slice %arg2[%mul3A_4] : memref<322560xi32, #tpu.memory_space<hbm>> -> memref<10080xi32, #tpu.memory_space<hbm>>
      %dma_wait3A_54 = tpu.memref_slice %arg2[%mul3A_4] : memref<322560xi32, #tpu.memory_space<hbm>> -> memref<10080xi32, #tpu.memory_space<hbm>>
      tpu.wait_dma2 semaphore(%run_scoped3A : memref<!tpu.dma_semaphore, #tpu.memory_space<semaphore_mem>>) src(%dma_wait3A_54 : memref<10080xi32, #tpu.memory_space<hbm>>) dst(%arg7 : memref<10080xi32, #tpu.memory_space<vmem>>)
      tpu.yield
    }) : () -> ()
    %mul3A_5 = arith.constant 10080 : i32
    %mul3A_6 = arith.muli %add3A, %mul3A_5 : i32
    "tpu.region"() ({
      %run_scoped3A = tpu.sem_alloc : memref<!tpu.dma_semaphore, #tpu.memory_space<semaphore_mem>>
      %dma_start3A_51 = tpu.memref_slice %arg3[%mul3A_6] : memref<322560xi32, #tpu.memory_space<hbm>> -> memref<10080xi32, #tpu.memory_space<hbm>>
      %dma_start3A_52 = tpu.memref_slice %arg3[%mul3A_6] : memref<322560xi32, #tpu.memory_space<hbm>> -> memref<10080xi32, #tpu.memory_space<hbm>>
      tpu.enqueue_dma source(%dma_start3A_52 : memref<10080xi32, #tpu.memory_space<hbm>>) target(%arg8 : memref<10080xi32, #tpu.memory_space<vmem>>) target_semaphore(%run_scoped3A : memref<!tpu.dma_semaphore, #tpu.memory_space<semaphore_mem>>)
      %dma_wait3A_53 = tpu.memref_slice %arg3[%mul3A_6] : memref<322560xi32, #tpu.memory_space<hbm>> -> memref<10080xi32, #tpu.memory_space<hbm>>
      %dma_wait3A_54 = tpu.memref_slice %arg3[%mul3A_6] : memref<322560xi32, #tpu.memory_space<hbm>> -> memref<10080xi32, #tpu.memory_space<hbm>>
      tpu.wait_dma2 semaphore(%run_scoped3A : memref<!tpu.dma_semaphore, #tpu.memory_space<semaphore_mem>>) src(%dma_wait3A_54 : memref<10080xi32, #tpu.memory_space<hbm>>) dst(%arg8 : memref<10080xi32, #tpu.memory_space<vmem>>)
      tpu.yield
    }) : () -> ()
    %barrier3A = arith.constant 0 : index
    tpu.barrier barrier_id(%barrier3A)
    %dma_start3A = arith.constant 0 : i32
    %dma_start3A_7 = tpu.memref_slice %arg7[%dma_start3A] : memref<10080xi32, #tpu.memory_space<vmem>> -> memref<80xi32, #tpu.memory_space<vmem>>
    %dma_start3A_8 = arith.constant 0 : i32
    %dma_start3A_9 = arith.constant 0 : i32
    %dma_start3A_10 = tpu.memref_slice %arg4[%dma_start3A_8, %dma_start3A_9] : memref<10240x128xf32, #tpu.memory_space<hbm>> -> memref<10240x128xf32, #tpu.memory_space<hbm>>
    tpu.enqueue_indirect_dma source(%dma_start3A_10 : memref<10240x128xf32, #tpu.memory_space<hbm>>) target(%arg9 : memref<80x128xf32, #tpu.memory_space<vmem>>) offsets(%dma_start3A_7 : memref<80xi32, #tpu.memory_space<vmem>>) semaphore(%arg12 : memref<!tpu.dma_semaphore, #tpu.memory_space<semaphore_mem>>)
    %dma_start3A_11 = arith.constant 80 : i32
    %dma_start3A_12 = tpu.memref_slice %arg7[%dma_start3A_11] : memref<10080xi32, #tpu.memory_space<vmem>> -> memref<80xi32, #tpu.memory_space<vmem>>
    %dma_start3A_13 = arith.constant 0 : i32
    %dma_start3A_14 = arith.constant 0 : i32
    %dma_start3A_15 = tpu.memref_slice %arg4[%dma_start3A_13, %dma_start3A_14] : memref<10240x128xf32, #tpu.memory_space<hbm>> -> memref<10240x128xf32, #tpu.memory_space<hbm>>
    tpu.enqueue_indirect_dma source(%dma_start3A_15 : memref<10240x128xf32, #tpu.memory_space<hbm>>) target(%arg10 : memref<80x128xf32, #tpu.memory_space<vmem>>) offsets(%dma_start3A_12 : memref<80xi32, #tpu.memory_space<vmem>>) semaphore(%arg13 : memref<!tpu.dma_semaphore, #tpu.memory_space<semaphore_mem>>)
    %scan3A = arith.constant 0 : i32
    %scan3A_16 = arith.constant 0 : i32
    %scan3A_17 = arith.constant 62 : i32
    %scan3A_18 = arith.addi %scan3A_16, %scan3A_17 : i32
    %scan3A_19 = arith.constant 1 : i32
    scf.for %scan3A_51 = %scan3A_16 to %scan3A_18 step %scan3A_19  : i32 {
      %mul3A_52 = arith.constant 2 : i32
      %mul3A_53 = arith.muli %mul3A_52, %scan3A_51 : i32
      %mul3A_54 = arith.constant 80 : i32
      %mul3A_55 = arith.muli %mul3A_53, %mul3A_54 : i32
      %dma_wait3A_56 = tpu.memref_slice %arg7[%mul3A_55] : memref<10080xi32, #tpu.memory_space<vmem>> -> memref<80xi32, #tpu.memory_space<vmem>>
      %dma_wait3A_57 = arith.constant 0 : i32
      %dma_wait3A_58 = arith.constant 0 : i32
      %dma_wait3A_59 = tpu.memref_slice %arg4[%dma_wait3A_57, %dma_wait3A_58] : memref<10240x128xf32, #tpu.memory_space<hbm>> -> memref<10240x128xf32, #tpu.memory_space<hbm>>
      tpu.wait_indirect_dma semaphore(%arg12 : memref<!tpu.dma_semaphore, #tpu.memory_space<semaphore_mem>>) src(%dma_wait3A_59 : memref<10240x128xf32, #tpu.memory_space<hbm>>) dst(%arg9 : memref<80x128xf32, #tpu.memory_space<vmem>>)
      %mul3A_60 = arith.constant 80 : i32
      %mul3A_61 = arith.muli %mul3A_53, %mul3A_60 : i32
      %dma_start3A_62 = tpu.memref_slice %arg8[%mul3A_61] : memref<10080xi32, #tpu.memory_space<vmem>> -> memref<80xi32, #tpu.memory_space<vmem>>
      %dma_start3A_63 = arith.constant 0 : i32
      %dma_start3A_64 = arith.constant 0 : i32
      %dma_start3A_65 = tpu.memref_slice %arg11[%dma_start3A_63, %dma_start3A_64] : memref<10240x128xf32, #tpu.memory_space<vmem_shared>> -> memref<10240x128xf32, #tpu.memory_space<vmem_shared>>
      tpu.enqueue_indirect_dma source(%arg9 : memref<80x128xf32, #tpu.memory_space<vmem>>) target(%dma_start3A_65 : memref<10240x128xf32, #tpu.memory_space<vmem_shared>>) offsets(%dma_start3A_62 : memref<80xi32, #tpu.memory_space<vmem>>) semaphore(%arg14 : memref<!tpu.dma_semaphore, #tpu.memory_space<semaphore_mem>>) {add = true}
      %add3A_66 = arith.constant 1 : i32
      %add3A_67 = arith.addi %mul3A_53, %add3A_66 : i32
      %mul3A_68 = arith.constant 80 : i32
      %mul3A_69 = arith.muli %add3A_67, %mul3A_68 : i32
      %dma_wait3A_70 = tpu.memref_slice %arg7[%mul3A_69] : memref<10080xi32, #tpu.memory_space<vmem>> -> memref<80xi32, #tpu.memory_space<vmem>>
      %dma_wait3A_71 = arith.constant 0 : i32
      %dma_wait3A_72 = arith.constant 0 : i32
      %dma_wait3A_73 = tpu.memref_slice %arg4[%dma_wait3A_71, %dma_wait3A_72] : memref<10240x128xf32, #tpu.memory_space<hbm>> -> memref<10240x128xf32, #tpu.memory_space<hbm>>
      tpu.wait_indirect_dma semaphore(%arg13 : memref<!tpu.dma_semaphore, #tpu.memory_space<semaphore_mem>>) src(%dma_wait3A_73 : memref<10240x128xf32, #tpu.memory_space<hbm>>) dst(%arg10 : memref<80x128xf32, #tpu.memory_space<vmem>>)
      %add3A_74 = arith.constant 1 : i32
      %add3A_75 = arith.addi %mul3A_53, %add3A_74 : i32
      %mul3A_76 = arith.constant 80 : i32
      %mul3A_77 = arith.muli %add3A_75, %mul3A_76 : i32
      %dma_start3A_78 = tpu.memref_slice %arg8[%mul3A_77] : memref<10080xi32, #tpu.memory_space<vmem>> -> memref<80xi32, #tpu.memory_space<vmem>>
      %dma_start3A_79 = arith.constant 0 : i32
      %dma_start3A_80 = arith.constant 0 : i32
      %dma_start3A_81 = tpu.memref_slice %arg11[%dma_start3A_79, %dma_start3A_80] : memref<10240x128xf32, #tpu.memory_space<vmem_shared>> -> memref<10240x128xf32, #tpu.memory_space<vmem_shared>>
      tpu.enqueue_indirect_dma source(%arg10 : memref<80x128xf32, #tpu.memory_space<vmem>>) target(%dma_start3A_81 : memref<10240x128xf32, #tpu.memory_space<vmem_shared>>) offsets(%dma_start3A_78 : memref<80xi32, #tpu.memory_space<vmem>>) semaphore(%arg15 : memref<!tpu.dma_semaphore, #tpu.memory_space<semaphore_mem>>) {add = true}
      %dma_wait3A_82 = arith.constant 0 : i32
      %dma_wait3A_83 = tpu.memref_slice %arg8[%dma_wait3A_82] : memref<10080xi32, #tpu.memory_space<vmem>> -> memref<80xi32, #tpu.memory_space<vmem>>
      %dma_wait3A_84 = arith.constant 0 : i32
      %dma_wait3A_85 = arith.constant 0 : i32
      %dma_wait3A_86 = tpu.memref_slice %arg11[%dma_wait3A_84, %dma_wait3A_85] : memref<10240x128xf32, #tpu.memory_space<vmem_shared>> -> memref<10240x128xf32, #tpu.memory_space<vmem_shared>>
      tpu.wait_indirect_dma semaphore(%arg14 : memref<!tpu.dma_semaphore, #tpu.memory_space<semaphore_mem>>) src(%arg9 : memref<80x128xf32, #tpu.memory_space<vmem>>) dst(%dma_wait3A_86 : memref<10240x128xf32, #tpu.memory_space<vmem_shared>>)
      %add3A_87 = arith.constant 2 : i32
      %add3A_88 = arith.addi %mul3A_53, %add3A_87 : i32
      %mul3A_89 = arith.constant 80 : i32
      %mul3A_90 = arith.muli %add3A_88, %mul3A_89 : i32
      %dma_start3A_91 = tpu.memref_slice %arg7[%mul3A_90] : memref<10080xi32, #tpu.memory_space<vmem>> -> memref<80xi32, #tpu.memory_space<vmem>>
      %dma_start3A_92 = arith.constant 0 : i32
      %dma_start3A_93 = arith.constant 0 : i32
      %dma_start3A_94 = tpu.memref_slice %arg4[%dma_start3A_92, %dma_start3A_93] : memref<10240x128xf32, #tpu.memory_space<hbm>> -> memref<10240x128xf32, #tpu.memory_space<hbm>>
      tpu.enqueue_indirect_dma source(%dma_start3A_94 : memref<10240x128xf32, #tpu.memory_space<hbm>>) target(%arg9 : memref<80x128xf32, #tpu.memory_space<vmem>>) offsets(%dma_start3A_91 : memref<80xi32, #tpu.memory_space<vmem>>) semaphore(%arg12 : memref<!tpu.dma_semaphore, #tpu.memory_space<semaphore_mem>>)
      %dma_wait3A_95 = arith.constant 0 : i32
      %dma_wait3A_96 = tpu.memref_slice %arg8[%dma_wait3A_95] : memref<10080xi32, #tpu.memory_space<vmem>> -> memref<80xi32, #tpu.memory_space<vmem>>
      %dma_wait3A_97 = arith.constant 0 : i32
      %dma_wait3A_98 = arith.constant 0 : i32
      %dma_wait3A_99 = tpu.memref_slice %arg11[%dma_wait3A_97, %dma_wait3A_98] : memref<10240x128xf32, #tpu.memory_space<vmem_shared>> -> memref<10240x128xf32, #tpu.memory_space<vmem_shared>>
      tpu.wait_indirect_dma semaphore(%arg15 : memref<!tpu.dma_semaphore, #tpu.memory_space<semaphore_mem>>) src(%arg10 : memref<80x128xf32, #tpu.memory_space<vmem>>) dst(%dma_wait3A_99 : memref<10240x128xf32, #tpu.memory_space<vmem_shared>>)
      %add3A_100 = arith.constant 3 : i32
      %add3A_101 = arith.addi %mul3A_53, %add3A_100 : i32
      %mul3A_102 = arith.constant 80 : i32
      %mul3A_103 = arith.muli %add3A_101, %mul3A_102 : i32
      %dma_start3A_104 = tpu.memref_slice %arg7[%mul3A_103] : memref<10080xi32, #tpu.memory_space<vmem>> -> memref<80xi32, #tpu.memory_space<vmem>>
      %dma_start3A_105 = arith.constant 0 : i32
      %dma_start3A_106 = arith.constant 0 : i32
      %dma_start3A_107 = tpu.memref_slice %arg4[%dma_start3A_105, %dma_start3A_106] : memref<10240x128xf32, #tpu.memory_space<hbm>> -> memref<10240x128xf32, #tpu.memory_space<hbm>>
      tpu.enqueue_indirect_dma source(%dma_start3A_107 : memref<10240x128xf32, #tpu.memory_space<hbm>>) target(%arg10 : memref<80x128xf32, #tpu.memory_space<vmem>>) offsets(%dma_start3A_104 : memref<80xi32, #tpu.memory_space<vmem>>) semaphore(%arg13 : memref<!tpu.dma_semaphore, #tpu.memory_space<semaphore_mem>>)
    }
    %scan3A_20 = arith.constant 62 : i32
    %dma_wait3A = arith.constant 9920 : i32
    %dma_wait3A_21 = tpu.memref_slice %arg7[%dma_wait3A] : memref<10080xi32, #tpu.memory_space<vmem>> -> memref<80xi32, #tpu.memory_space<vmem>>
    %dma_wait3A_22 = arith.constant 0 : i32
    %dma_wait3A_23 = arith.constant 0 : i32
    %dma_wait3A_24 = tpu.memref_slice %arg4[%dma_wait3A_22, %dma_wait3A_23] : memref<10240x128xf32, #tpu.memory_space<hbm>> -> memref<10240x128xf32, #tpu.memory_space<hbm>>
    tpu.wait_indirect_dma semaphore(%arg12 : memref<!tpu.dma_semaphore, #tpu.memory_space<semaphore_mem>>) src(%dma_wait3A_24 : memref<10240x128xf32, #tpu.memory_space<hbm>>) dst(%arg9 : memref<80x128xf32, #tpu.memory_space<vmem>>)
    %dma_start3A_25 = arith.constant 9920 : i32
    %dma_start3A_26 = tpu.memref_slice %arg8[%dma_start3A_25] : memref<10080xi32, #tpu.memory_space<vmem>> -> memref<80xi32, #tpu.memory_space<vmem>>
    %dma_start3A_27 = arith.constant 0 : i32
    %dma_start3A_28 = arith.constant 0 : i32
    %dma_start3A_29 = tpu.memref_slice %arg11[%dma_start3A_27, %dma_start3A_28] : memref<10240x128xf32, #tpu.memory_space<vmem_shared>> -> memref<10240x128xf32, #tpu.memory_space<vmem_shared>>
    tpu.enqueue_indirect_dma source(%arg9 : memref<80x128xf32, #tpu.memory_space<vmem>>) target(%dma_start3A_29 : memref<10240x128xf32, #tpu.memory_space<vmem_shared>>) offsets(%dma_start3A_26 : memref<80xi32, #tpu.memory_space<vmem>>) semaphore(%arg14 : memref<!tpu.dma_semaphore, #tpu.memory_space<semaphore_mem>>) {add = true}
    %dma_wait3A_30 = arith.constant 10000 : i32
    %dma_wait3A_31 = tpu.memref_slice %arg7[%dma_wait3A_30] : memref<10080xi32, #tpu.memory_space<vmem>> -> memref<80xi32, #tpu.memory_space<vmem>>
    %dma_wait3A_32 = arith.constant 0 : i32
    %dma_wait3A_33 = arith.constant 0 : i32
    %dma_wait3A_34 = tpu.memref_slice %arg4[%dma_wait3A_32, %dma_wait3A_33] : memref<10240x128xf32, #tpu.memory_space<hbm>> -> memref<10240x128xf32, #tpu.memory_space<hbm>>
    tpu.wait_indirect_dma semaphore(%arg13 : memref<!tpu.dma_semaphore, #tpu.memory_space<semaphore_mem>>) src(%dma_wait3A_34 : memref<10240x128xf32, #tpu.memory_space<hbm>>) dst(%arg10 : memref<80x128xf32, #tpu.memory_space<vmem>>)
    %dma_start3A_35 = arith.constant 10000 : i32
    %dma_start3A_36 = tpu.memref_slice %arg8[%dma_start3A_35] : memref<10080xi32, #tpu.memory_space<vmem>> -> memref<80xi32, #tpu.memory_space<vmem>>
    %dma_start3A_37 = arith.constant 0 : i32
    %dma_start3A_38 = arith.constant 0 : i32
    %dma_start3A_39 = tpu.memref_slice %arg11[%dma_start3A_37, %dma_start3A_38] : memref<10240x128xf32, #tpu.memory_space<vmem_shared>> -> memref<10240x128xf32, #tpu.memory_space<vmem_shared>>
    tpu.enqueue_indirect_dma source(%arg10 : memref<80x128xf32, #tpu.memory_space<vmem>>) target(%dma_start3A_39 : memref<10240x128xf32, #tpu.memory_space<vmem_shared>>) offsets(%dma_start3A_36 : memref<80xi32, #tpu.memory_space<vmem>>) semaphore(%arg15 : memref<!tpu.dma_semaphore, #tpu.memory_space<semaphore_mem>>) {add = true}
    %dma_wait3A_40 = arith.constant 0 : i32
    %dma_wait3A_41 = tpu.memref_slice %arg8[%dma_wait3A_40] : memref<10080xi32, #tpu.memory_space<vmem>> -> memref<80xi32, #tpu.memory_space<vmem>>
    %dma_wait3A_42 = arith.constant 0 : i32
    %dma_wait3A_43 = arith.constant 0 : i32
    %dma_wait3A_44 = tpu.memref_slice %arg11[%dma_wait3A_42, %dma_wait3A_43] : memref<10240x128xf32, #tpu.memory_space<vmem_shared>> -> memref<10240x128xf32, #tpu.memory_space<vmem_shared>>
    tpu.wait_indirect_dma semaphore(%arg14 : memref<!tpu.dma_semaphore, #tpu.memory_space<semaphore_mem>>) src(%arg9 : memref<80x128xf32, #tpu.memory_space<vmem>>) dst(%dma_wait3A_44 : memref<10240x128xf32, #tpu.memory_space<vmem_shared>>)
    %dma_wait3A_45 = arith.constant 0 : i32
    %dma_wait3A_46 = tpu.memref_slice %arg8[%dma_wait3A_45] : memref<10080xi32, #tpu.memory_space<vmem>> -> memref<80xi32, #tpu.memory_space<vmem>>
    %dma_wait3A_47 = arith.constant 0 : i32
    %dma_wait3A_48 = arith.constant 0 : i32
    %dma_wait3A_49 = tpu.memref_slice %arg11[%dma_wait3A_47, %dma_wait3A_48] : memref<10240x128xf32, #tpu.memory_space<vmem_shared>> -> memref<10240x128xf32, #tpu.memory_space<vmem_shared>>
    tpu.wait_indirect_dma semaphore(%arg15 : memref<!tpu.dma_semaphore, #tpu.memory_space<semaphore_mem>>) src(%arg10 : memref<80x128xf32, #tpu.memory_space<vmem>>) dst(%dma_wait3A_49 : memref<10240x128xf32, #tpu.memory_space<vmem_shared>>)
    %barrier3A_50 = arith.constant 0 : index
    tpu.barrier barrier_id(%barrier3A_50)
    "tpu.region"() ({
      %run_scoped3A = tpu.sem_alloc : memref<!tpu.dma_semaphore, #tpu.memory_space<semaphore_mem>>
      %dma_start3A_51 = arith.constant 0 : i32
      %dma_start3A_52 = tpu.memref_slice %arg6[%arg0, %mul3A_2, %dma_start3A_51] : memref<2x10240x128xf32, #tpu.memory_space<hbm>> -> memref<1x640x128xf32, #tpu.memory_space<hbm>>
      %dma_start3A_53 = tpu.memref_squeeze %dma_start3A_52 : memref<1x640x128xf32, #tpu.memory_space<hbm>> -> memref<640x128xf32, #tpu.memory_space<hbm>>
      %dma_start3A_54 = arith.constant 0 : i32
      %dma_start3A_55 = tpu.memref_slice %arg11[%mul3A_2, %dma_start3A_54] : memref<10240x128xf32, #tpu.memory_space<vmem_shared>> -> memref<640x128xf32, #tpu.memory_space<vmem_shared>>
      tpu.enqueue_dma source(%dma_start3A_55 : memref<640x128xf32, #tpu.memory_space<vmem_shared>>) target(%dma_start3A_53 : memref<640x128xf32, #tpu.memory_space<hbm>>) target_semaphore(%run_scoped3A : memref<!tpu.dma_semaphore, #tpu.memory_space<semaphore_mem>>)
      %dma_wait3A_56 = arith.constant 0 : i32
      %dma_wait3A_57 = tpu.memref_slice %arg6[%arg0, %mul3A_2, %dma_wait3A_56] : memref<2x10240x128xf32, #tpu.memory_space<hbm>> -> memref<1x640x128xf32, #tpu.memory_space<hbm>>
      %dma_wait3A_58 = tpu.memref_squeeze %dma_wait3A_57 : memref<1x640x128xf32, #tpu.memory_space<hbm>> -> memref<640x128xf32, #tpu.memory_space<hbm>>
      %dma_wait3A_59 = arith.constant 0 : i32
      %dma_wait3A_60 = tpu.memref_slice %arg11[%mul3A_2, %dma_wait3A_59] : memref<10240x128xf32, #tpu.memory_space<vmem_shared>> -> memref<640x128xf32, #tpu.memory_space<vmem_shared>>
      tpu.wait_dma2 semaphore(%run_scoped3A : memref<!tpu.dma_semaphore, #tpu.memory_space<semaphore_mem>>) src(%dma_wait3A_60 : memref<640x128xf32, #tpu.memory_space<vmem_shared>>) dst(%dma_wait3A_58 : memref<640x128xf32, #tpu.memory_space<hbm>>)
      tpu.yield
    }) : () -> ()
    return
  }
}

module attributes {stable_mosaic.version = 14 : i64} {
  func.func @_scale_x_body(%arg0: i32, %arg1: memref<2048x128xf32, #tpu.memory_space<vmem>>, %arg2: memref<32x2048xf32, #tpu.memory_space<vmem>>, %arg3: memref<2048x128xf32, #tpu.memory_space<vmem>>) attributes {dimension_semantics = [#tpu.dimension_semantics<arbitrary>], iteration_bounds = array<i64: 5>, scalar_prefetch = 0 : i64, scratch_operands = 0 : i64, tpu.core_type = #tpu.core_type<tc>, window_params = [{transform_indices = @transform_0, window_bounds = array<i64: 2048, 128>}, {transform_indices = @transform_1, window_bounds = array<i64: 32, 2048>}, {transform_indices = @transform_2, window_bounds = array<i64: 2048, 128>}]} {
    %get3A = arith.constant 0 : index
    %get3A_0 = arith.constant 0 : index
    %get3A_1 = vector.load %arg2[%get3A, %get3A_0] : memref<32x2048xf32, #tpu.memory_space<vmem>>, vector<32x2048xf32>
    %reduce_sum3A = arith.constant dense<0.000000e+00> : vector<2048xf32>
    %reduce_sum3A_2 = vector.multi_reduction <add>, %get3A_1, %reduce_sum3A [0] : vector<32x2048xf32> to vector<2048xf32>
    %max3A = arith.constant 1.000000e+00 : f32
    %max3A_3 = vector.broadcast %max3A : f32 to vector<2048xf32>
    %max3A_4 = arith.maximumf %reduce_sum3A_2, %max3A_3 : vector<2048xf32>
    %rsqrt3A = math.rsqrt %max3A_4 : vector<2048xf32>
    %get3A_5 = arith.constant 0 : index
    %get3A_6 = arith.constant 0 : index
    %get3A_7 = vector.load %arg1[%get3A_5, %get3A_6] : memref<2048x128xf32, #tpu.memory_space<vmem>>, vector<2048x128xf32>
    %broadcast_in_dim3A = vector.shape_cast %rsqrt3A : vector<2048xf32> to vector<2048x1xf32>
    %mul3A = vector.broadcast %broadcast_in_dim3A : vector<2048x1xf32> to vector<2048x128xf32>
    %mul3A_8 = arith.mulf %get3A_7, %mul3A : vector<2048x128xf32>
    %swap3A = arith.constant 0 : index
    %swap3A_9 = arith.constant 0 : index
    %swap3A_10 = vector.load %arg3[%swap3A, %swap3A_9] : memref<2048x128xf32, #tpu.memory_space<vmem>>, vector<2048x128xf32>
    tpu.vector_store %arg3[%swap3A, %swap3A_9], %mul3A_8 {strides = array<i32>} : memref<2048x128xf32, #tpu.memory_space<vmem>>, vector<2048x128xf32>,
    return
  }
  func.func @transform_0(%arg0: i32) -> (i32, i32) {
    %c0_i32 = arith.constant 0 : i32
    %c0_i32_0 = arith.constant 0 : i32
    return %arg0, %c0_i32 : i32, i32
  }
  func.func @transform_1(%arg0: i32) -> (i32, i32) {
    %c0_i32 = arith.constant 0 : i32
    %c0_i32_0 = arith.constant 0 : i32
    return %c0_i32, %arg0 : i32, i32
  }
  func.func @transform_2(%arg0: i32) -> (i32, i32) {
    %c0_i32 = arith.constant 0 : i32
    %c0_i32_0 = arith.constant 0 : i32
    return %arg0, %c0_i32 : i32, i32
  }
}

module attributes {stable_mosaic.version = 14 : i64} {
  func.func @_mid_body(%arg0: i32, %arg1: memref<2x2048x128xf32, #tpu.memory_space<vmem>>, %arg2: memref<32x2048xf32, #tpu.memory_space<vmem>>, %arg3: memref<32x2048xf32, #tpu.memory_space<vmem>>, %arg4: memref<128x1xf32, #tpu.memory_space<vmem>>, %arg5: memref<1x1xf32, #tpu.memory_space<vmem>>, %arg6: memref<128x128xf32, #tpu.memory_space<vmem>>, %arg7: memref<1x128xf32, #tpu.memory_space<vmem>>, %arg8: memref<2048x1xf32, #tpu.memory_space<vmem>>, %arg9: memref<2048x128xf32, #tpu.memory_space<vmem>>) attributes {dimension_semantics = [#tpu.dimension_semantics<arbitrary>], iteration_bounds = array<i64: 5>, scalar_prefetch = 0 : i64, scratch_operands = 0 : i64, tpu.core_type = #tpu.core_type<tc>, window_params = [{transform_indices = @transform_0, window_bounds = array<i64: 2, 2048, 128>}, {transform_indices = @transform_1, window_bounds = array<i64: 32, 2048>}, {transform_indices = @transform_2, window_bounds = array<i64: 32, 2048>}, {pipeline_mode = #tpu.pipeline_mode<synchronous>, transform_indices = @transform_3, window_bounds = array<i64: 128, 1>}, {pipeline_mode = #tpu.pipeline_mode<synchronous>, transform_indices = @transform_4, window_bounds = array<i64: 1, 1>}, {pipeline_mode = #tpu.pipeline_mode<synchronous>, transform_indices = @transform_5, window_bounds = array<i64: 128, 128>}, {pipeline_mode = #tpu.pipeline_mode<synchronous>, transform_indices = @transform_6, window_bounds = array<i64: 1, 128>}, {transform_indices = @transform_7, window_bounds = array<i64: 2048, 1>}, {transform_indices = @transform_8, window_bounds = array<i64: 2048, 128>}]} {
    %get3A = arith.constant 0 : index
    %get3A_0 = arith.constant 0 : index
    %get3A_1 = vector.load %arg3[%get3A, %get3A_0] : memref<32x2048xf32, #tpu.memory_space<vmem>>, vector<32x2048xf32>
    %reduce_sum3A = arith.constant dense<0.000000e+00> : vector<2048xf32>
    %reduce_sum3A_2 = vector.multi_reduction <add>, %get3A_1, %reduce_sum3A [0] : vector<32x2048xf32> to vector<2048xf32>
    %max3A = arith.constant 1.000000e+00 : f32
    %max3A_3 = vector.broadcast %max3A : f32 to vector<2048xf32>
    %max3A_4 = arith.maximumf %reduce_sum3A_2, %max3A_3 : vector<2048xf32>
    %rsqrt3A = math.rsqrt %max3A_4 : vector<2048xf32>
    %get3A_5 = arith.constant 0 : index
    %get3A_6 = arith.constant 0 : index
    %get3A_7 = arith.constant 0 : index
    %get3A_8 = vector.load %arg1[%get3A_5, %get3A_6, %get3A_7] : memref<2x2048x128xf32, #tpu.memory_space<vmem>>, vector<1x2048x128xf32>
    %get3A_9 = vector.shape_cast %get3A_8 : vector<1x2048x128xf32> to vector<2048x128xf32>
    %get3A_10 = arith.constant 1 : index
    %get3A_11 = arith.constant 0 : index
    %get3A_12 = arith.constant 0 : index
    %get3A_13 = vector.load %arg1[%get3A_10, %get3A_11, %get3A_12] : memref<2x2048x128xf32, #tpu.memory_space<vmem>>, vector<1x2048x128xf32>
    %get3A_14 = vector.shape_cast %get3A_13 : vector<1x2048x128xf32> to vector<2048x128xf32>
    %add3A = arith.addf %get3A_9, %get3A_14 : vector<2048x128xf32>
    %broadcast_in_dim3A = vector.shape_cast %rsqrt3A : vector<2048xf32> to vector<2048x1xf32>
    %mul3A = vector.broadcast %broadcast_in_dim3A : vector<2048x1xf32> to vector<2048x128xf32>
    %mul3A_15 = arith.mulf %add3A, %mul3A : vector<2048x128xf32>
    %get3A_16 = arith.constant 0 : index
    %get3A_17 = arith.constant 0 : index
    %get3A_18 = vector.load %arg4[%get3A_16, %get3A_17] : memref<128x1xf32, #tpu.memory_space<vmem>>, vector<128x1xf32>
    %dot_general3A = arith.constant dense<0.000000e+00> : vector<2048x1xf32>
    %dot_general3A_19 = tpu.matmul %mul3A_15, %get3A_18, %dot_general3A {dimension_numbers = #tpu.dot_dimension_numbers<[1], [0], [0], [1], [0, 0, 1, 1], [], []>, transpose_lhs_hint = false} : vector<2048x128xf32>, vector<128x1xf32>, vector<2048x1xf32> -> vector<2048x1xf32>
    %get3A_20 = arith.constant 0 : index
    %get3A_21 = arith.constant 0 : index
    %get3A_22 = vector.load %arg5[%get3A_20, %get3A_21] : memref<1x1xf32, #tpu.memory_space<vmem>>, vector<1x1xf32>
    %add3A_23 = vector.broadcast %get3A_22 : vector<1x1xf32> to vector<2048x1xf32>
    %add3A_24 = arith.addf %dot_general3A_19, %add3A_23 : vector<2048x1xf32>
    %swap3A = arith.constant 0 : index
    %swap3A_25 = arith.constant 0 : index
    %swap3A_26 = vector.load %arg8[%swap3A, %swap3A_25] : memref<2048x1xf32, #tpu.memory_space<vmem>>, vector<2048x1xf32>
    tpu.vector_store %arg8[%swap3A, %swap3A_25], %add3A_24 {strides = array<i32>} : memref<2048x1xf32, #tpu.memory_space<vmem>>, vector<2048x1xf32>,
    %get3A_27 = arith.constant 0 : index
    %get3A_28 = arith.constant 0 : index
    %get3A_29 = vector.load %arg2[%get3A_27, %get3A_28] : memref<32x2048xf32, #tpu.memory_space<vmem>>, vector<32x2048xf32>
    %reduce_sum3A_30 = arith.constant dense<0.000000e+00> : vector<2048xf32>
    %reduce_sum3A_31 = vector.multi_reduction <add>, %get3A_29, %reduce_sum3A_30 [0] : vector<32x2048xf32> to vector<2048xf32>
    %max3A_32 = arith.constant 1.000000e+00 : f32
    %max3A_33 = vector.broadcast %max3A_32 : f32 to vector<2048xf32>
    %max3A_34 = arith.maximumf %reduce_sum3A_31, %max3A_33 : vector<2048xf32>
    %rsqrt3A_35 = math.rsqrt %max3A_34 : vector<2048xf32>
    %get3A_36 = arith.constant 0 : index
    %get3A_37 = arith.constant 0 : index
    %get3A_38 = vector.load %arg6[%get3A_36, %get3A_37] : memref<128x128xf32, #tpu.memory_space<vmem>>, vector<128x128xf32>
    %dot_general3A_39 = arith.constant dense<0.000000e+00> : vector<2048x128xf32>
    %dot_general3A_40 = tpu.matmul %mul3A_15, %get3A_38, %dot_general3A_39 {dimension_numbers = #tpu.dot_dimension_numbers<[1], [0], [0], [1], [0, 0, 1, 1], [], []>, transpose_lhs_hint = false} : vector<2048x128xf32>, vector<128x128xf32>, vector<2048x128xf32> -> vector<2048x128xf32>
    %get3A_41 = arith.constant 0 : index
    %get3A_42 = arith.constant 0 : index
    %get3A_43 = vector.load %arg7[%get3A_41, %get3A_42] : memref<1x128xf32, #tpu.memory_space<vmem>>, vector<1x128xf32>
    %add3A_44 = vector.broadcast %get3A_43 : vector<1x128xf32> to vector<2048x128xf32>
    %add3A_45 = arith.addf %dot_general3A_40, %add3A_44 : vector<2048x128xf32>
    %max3A_46 = arith.constant 0.000000e+00 : f32
    %max3A_47 = vector.broadcast %max3A_46 : f32 to vector<2048x128xf32>
    %max3A_48 = arith.maximumf %add3A_45, %max3A_47 : vector<2048x128xf32>
    %broadcast_in_dim3A_49 = vector.shape_cast %rsqrt3A_35 : vector<2048xf32> to vector<2048x1xf32>
    %mul3A_50 = vector.broadcast %broadcast_in_dim3A_49 : vector<2048x1xf32> to vector<2048x128xf32>
    %mul3A_51 = arith.mulf %max3A_48, %mul3A_50 : vector<2048x128xf32>
    %swap3A_52 = arith.constant 0 : index
    %swap3A_53 = arith.constant 0 : index
    %swap3A_54 = vector.load %arg9[%swap3A_52, %swap3A_53] : memref<2048x128xf32, #tpu.memory_space<vmem>>, vector<2048x128xf32>
    tpu.vector_store %arg9[%swap3A_52, %swap3A_53], %mul3A_51 {strides = array<i32>} : memref<2048x128xf32, #tpu.memory_space<vmem>>, vector<2048x128xf32>,
    return
  }
  func.func @transform_0(%arg0: i32) -> (i32, i32, i32) {
    %c0_i32 = arith.constant 0 : i32
    %c0_i32_0 = arith.constant 0 : i32
    %c0_i32_1 = arith.constant 0 : i32
    return %c0_i32, %arg0, %c0_i32_0 : i32, i32, i32
  }
  func.func @transform_1(%arg0: i32) -> (i32, i32) {
    %c0_i32 = arith.constant 0 : i32
    %c0_i32_0 = arith.constant 0 : i32
    return %c0_i32, %arg0 : i32, i32
  }
  func.func @transform_2(%arg0: i32) -> (i32, i32) {
    %c0_i32 = arith.constant 0 : i32
    %c0_i32_0 = arith.constant 0 : i32
    return %c0_i32, %arg0 : i32, i32
  }
  func.func @transform_3(%arg0: i32) -> (i32, i32) {
    %c0_i32 = arith.constant 0 : i32
    %c0_i32_0 = arith.constant 0 : i32
    %c0_i32_1 = arith.constant 0 : i32
    return %c0_i32, %c0_i32_0 : i32, i32
  }
  func.func @transform_4(%arg0: i32) -> (i32, i32) {
    %c0_i32 = arith.constant 0 : i32
    %c0_i32_0 = arith.constant 0 : i32
    %c0_i32_1 = arith.constant 0 : i32
    return %c0_i32, %c0_i32_0 : i32, i32
  }
  func.func @transform_5(%arg0: i32) -> (i32, i32) {
    %c0_i32 = arith.constant 0 : i32
    %c0_i32_0 = arith.constant 0 : i32
    %c0_i32_1 = arith.constant 0 : i32
    return %c0_i32, %c0_i32_0 : i32, i32
  }
  func.func @transform_6(%arg0: i32) -> (i32, i32) {
    %c0_i32 = arith.constant 0 : i32
    %c0_i32_0 = arith.constant 0 : i32
    %c0_i32_1 = arith.constant 0 : i32
    return %c0_i32, %c0_i32_0 : i32, i32
  }
  func.func @transform_7(%arg0: i32) -> (i32, i32) {
    %c0_i32 = arith.constant 0 : i32
    %c0_i32_0 = arith.constant 0 : i32
    return %arg0, %c0_i32 : i32, i32
  }
  func.func @transform_8(%arg0: i32) -> (i32, i32) {
    %c0_i32 = arith.constant 0 : i32
    %c0_i32_0 = arith.constant 0 : i32
    return %arg0, %c0_i32 : i32, i32
  }
}

module attributes {stable_mosaic.version = 14 : i64} {
  func.func @_final_body(%arg0: i32, %arg1: memref<2x2048x128xf32, #tpu.memory_space<vmem>>, %arg2: memref<32x2048xf32, #tpu.memory_space<vmem>>, %arg3: memref<128x128xf32, #tpu.memory_space<vmem>>, %arg4: memref<1x128xf32, #tpu.memory_space<vmem>>, %arg5: memref<128x1xf32, #tpu.memory_space<vmem>>, %arg6: memref<1x1xf32, #tpu.memory_space<vmem>>, %arg7: memref<2048x128xf32, #tpu.memory_space<vmem>>, %arg8: memref<2048x1xf32, #tpu.memory_space<vmem>>) attributes {dimension_semantics = [#tpu.dimension_semantics<arbitrary>], iteration_bounds = array<i64: 5>, scalar_prefetch = 0 : i64, scratch_operands = 0 : i64, tpu.core_type = #tpu.core_type<tc>, window_params = [{transform_indices = @transform_0, window_bounds = array<i64: 2, 2048, 128>}, {transform_indices = @transform_1, window_bounds = array<i64: 32, 2048>}, {pipeline_mode = #tpu.pipeline_mode<synchronous>, transform_indices = @transform_2, window_bounds = array<i64: 128, 128>}, {pipeline_mode = #tpu.pipeline_mode<synchronous>, transform_indices = @transform_3, window_bounds = array<i64: 1, 128>}, {pipeline_mode = #tpu.pipeline_mode<synchronous>, transform_indices = @transform_4, window_bounds = array<i64: 128, 1>}, {pipeline_mode = #tpu.pipeline_mode<synchronous>, transform_indices = @transform_5, window_bounds = array<i64: 1, 1>}, {transform_indices = @transform_6, window_bounds = array<i64: 2048, 128>}, {transform_indices = @transform_7, window_bounds = array<i64: 2048, 1>}]} {
    %get3A = arith.constant 0 : index
    %get3A_0 = arith.constant 0 : index
    %get3A_1 = vector.load %arg2[%get3A, %get3A_0] : memref<32x2048xf32, #tpu.memory_space<vmem>>, vector<32x2048xf32>
    %reduce_sum3A = arith.constant dense<0.000000e+00> : vector<2048xf32>
    %reduce_sum3A_2 = vector.multi_reduction <add>, %get3A_1, %reduce_sum3A [0] : vector<32x2048xf32> to vector<2048xf32>
    %max3A = arith.constant 1.000000e+00 : f32
    %max3A_3 = vector.broadcast %max3A : f32 to vector<2048xf32>
    %max3A_4 = arith.maximumf %reduce_sum3A_2, %max3A_3 : vector<2048xf32>
    %rsqrt3A = math.rsqrt %max3A_4 : vector<2048xf32>
    %get3A_5 = arith.constant 0 : index
    %get3A_6 = arith.constant 0 : index
    %get3A_7 = arith.constant 0 : index
    %get3A_8 = vector.load %arg1[%get3A_5, %get3A_6, %get3A_7] : memref<2x2048x128xf32, #tpu.memory_space<vmem>>, vector<1x2048x128xf32>
    %get3A_9 = vector.shape_cast %get3A_8 : vector<1x2048x128xf32> to vector<2048x128xf32>
    %get3A_10 = arith.constant 1 : index
    %get3A_11 = arith.constant 0 : index
    %get3A_12 = arith.constant 0 : index
    %get3A_13 = vector.load %arg1[%get3A_10, %get3A_11, %get3A_12] : memref<2x2048x128xf32, #tpu.memory_space<vmem>>, vector<1x2048x128xf32>
    %get3A_14 = vector.shape_cast %get3A_13 : vector<1x2048x128xf32> to vector<2048x128xf32>
    %add3A = arith.addf %get3A_9, %get3A_14 : vector<2048x128xf32>
    %broadcast_in_dim3A = vector.shape_cast %rsqrt3A : vector<2048xf32> to vector<2048x1xf32>
    %mul3A = vector.broadcast %broadcast_in_dim3A : vector<2048x1xf32> to vector<2048x128xf32>
    %mul3A_15 = arith.mulf %add3A, %mul3A : vector<2048x128xf32>
    %get3A_16 = arith.constant 0 : index
    %get3A_17 = arith.constant 0 : index
    %get3A_18 = vector.load %arg3[%get3A_16, %get3A_17] : memref<128x128xf32, #tpu.memory_space<vmem>>, vector<128x128xf32>
    %dot_general3A = arith.constant dense<0.000000e+00> : vector<2048x128xf32>
    %dot_general3A_19 = tpu.matmul %mul3A_15, %get3A_18, %dot_general3A {dimension_numbers = #tpu.dot_dimension_numbers<[1], [0], [0], [1], [0, 0, 1, 1], [], []>, transpose_lhs_hint = false} : vector<2048x128xf32>, vector<128x128xf32>, vector<2048x128xf32> -> vector<2048x128xf32>
    %get3A_20 = arith.constant 0 : index
    %get3A_21 = arith.constant 0 : index
    %get3A_22 = vector.load %arg4[%get3A_20, %get3A_21] : memref<1x128xf32, #tpu.memory_space<vmem>>, vector<1x128xf32>
    %add3A_23 = vector.broadcast %get3A_22 : vector<1x128xf32> to vector<2048x128xf32>
    %add3A_24 = arith.addf %dot_general3A_19, %add3A_23 : vector<2048x128xf32>
    %swap3A = arith.constant 0 : index
    %swap3A_25 = arith.constant 0 : index
    %swap3A_26 = vector.load %arg7[%swap3A, %swap3A_25] : memref<2048x128xf32, #tpu.memory_space<vmem>>, vector<2048x128xf32>
    tpu.vector_store %arg7[%swap3A, %swap3A_25], %add3A_24 {strides = array<i32>} : memref<2048x128xf32, #tpu.memory_space<vmem>>, vector<2048x128xf32>,
    %get3A_27 = arith.constant 0 : index
    %get3A_28 = arith.constant 0 : index
    %get3A_29 = vector.load %arg5[%get3A_27, %get3A_28] : memref<128x1xf32, #tpu.memory_space<vmem>>, vector<128x1xf32>
    %dot_general3A_30 = arith.constant dense<0.000000e+00> : vector<2048x1xf32>
    %dot_general3A_31 = tpu.matmul %add3A_24, %get3A_29, %dot_general3A_30 {dimension_numbers = #tpu.dot_dimension_numbers<[1], [0], [0], [1], [0, 0, 1, 1], [], []>, transpose_lhs_hint = false} : vector<2048x128xf32>, vector<128x1xf32>, vector<2048x1xf32> -> vector<2048x1xf32>
    %get3A_32 = arith.constant 0 : index
    %get3A_33 = arith.constant 0 : index
    %get3A_34 = vector.load %arg6[%get3A_32, %get3A_33] : memref<1x1xf32, #tpu.memory_space<vmem>>, vector<1x1xf32>
    %add3A_35 = vector.broadcast %get3A_34 : vector<1x1xf32> to vector<2048x1xf32>
    %add3A_36 = arith.addf %dot_general3A_31, %add3A_35 : vector<2048x1xf32>
    %swap3A_37 = arith.constant 0 : index
    %swap3A_38 = arith.constant 0 : index
    %swap3A_39 = vector.load %arg8[%swap3A_37, %swap3A_38] : memref<2048x1xf32, #tpu.memory_space<vmem>>, vector<2048x1xf32>
    tpu.vector_store %arg8[%swap3A_37, %swap3A_38], %add3A_36 {strides = array<i32>} : memref<2048x1xf32, #tpu.memory_space<vmem>>, vector<2048x1xf32>,
    return
  }
  func.func @transform_0(%arg0: i32) -> (i32, i32, i32) {
    %c0_i32 = arith.constant 0 : i32
    %c0_i32_0 = arith.constant 0 : i32
    %c0_i32_1 = arith.constant 0 : i32
    return %c0_i32, %arg0, %c0_i32_0 : i32, i32, i32
  }
  func.func @transform_1(%arg0: i32) -> (i32, i32) {
    %c0_i32 = arith.constant 0 : i32
    %c0_i32_0 = arith.constant 0 : i32
    return %c0_i32, %arg0 : i32, i32
  }
  func.func @transform_2(%arg0: i32) -> (i32, i32) {
    %c0_i32 = arith.constant 0 : i32
    %c0_i32_0 = arith.constant 0 : i32
    %c0_i32_1 = arith.constant 0 : i32
    return %c0_i32, %c0_i32_0 : i32, i32
  }
  func.func @transform_3(%arg0: i32) -> (i32, i32) {
    %c0_i32 = arith.constant 0 : i32
    %c0_i32_0 = arith.constant 0 : i32
    %c0_i32_1 = arith.constant 0 : i32
    return %c0_i32, %c0_i32_0 : i32, i32
  }
  func.func @transform_4(%arg0: i32) -> (i32, i32) {
    %c0_i32 = arith.constant 0 : i32
    %c0_i32_0 = arith.constant 0 : i32
    %c0_i32_1 = arith.constant 0 : i32
    return %c0_i32, %c0_i32_0 : i32, i32
  }
  func.func @transform_5(%arg0: i32) -> (i32, i32) {
    %c0_i32 = arith.constant 0 : i32
    %c0_i32_0 = arith.constant 0 : i32
    %c0_i32_1 = arith.constant 0 : i32
    return %c0_i32, %c0_i32_0 : i32, i32
  }
  func.func @transform_6(%arg0: i32) -> (i32, i32) {
    %c0_i32 = arith.constant 0 : i32
    %c0_i32_0 = arith.constant 0 : i32
    return %arg0, %c0_i32 : i32, i32
  }
  func.func @transform_7(%arg0: i32) -> (i32, i32) {
    %c0_i32 = arith.constant 0 : i32
    %c0_i32_0 = arith.constant 0 : i32
    return %arg0, %c0_i32 : i32, i32
  }
}

</mosaic_0001>

<sc_bundles>
// kernel: kernel.11.cloned.1.call-start
scs
__scs_entry_jumppad:
0x0: {  	(pc) =	sbr.rel $0x88, $3  }
0x1: {  	(tag) =	ssettag $0x0;
	lr =	simm.s32 $0x1  }
0x2: {  	[smem:$0x3F97] =	sst lr;
	_ =	strace $0xD0000000  }
0x3: {  	_ = 	snop  }
0x4: {  	_ = 	snop  }
0x5: {  	_ = 	snop  }
0x6: {  	_ = 	snop  }
0x7: {  	_ = 	snop  }
__scs_overlays_trampoline_lowered:
0x8: {  	[smem:$0x3FA6] =	sst s0  }
0x9: {  	[smem:$0x3FA7] =	sst s1  }
0xa: {  	[smem:$0x3FA8] =	sst s2  }
0xb: {  	[smem:$0x3FA9] =	sst s3  }
0xc: {  	[smem:$0x3FAA] =	sst s4  }
0xd: {  	[smem:$0x3FAB] =	sst s5  }
0xe: {  	[smem:$0x3FAC] =	sst s6  }
0xf: {  	[smem:$0x3FAD] =	sst s7  }
0x10: {  	[smem:$0x3FAE] =	sst s8  }
0x11: {  	[smem:$0x3FAF] =	sst s9;
	s0 =	simm.s32 @!p0 $0x0  }
0x12: {  	s1 =	sld [smem:$0x3F95];
	s0 =	simm.s32 @p0 $0x1  }
0x13: {  	[smem:$0x3FB0] =	sst s0;
	s0 =	simm.s32 @!p1 $0x0  }
0x14: {  	s2 =	sld [smem:$0x3F94];
	s0 =	simm.s32 @p1 $0x1  }
0x15: {  	[smem:$0x3FB1] =	sst s0;
	s0 =	simm.s32 @!p2 $0x0  }
0x16: {  	s3 =	sld [smem:$0x3FDB];
	s0 =	simm.s32 @p2 $0x1  }
0x17: {  	s4 =	simm.s32 $0x1BF5;
	[smem:$0x3FB3] =	sst s0  }
0x18: {  	s0 =	sld [smem:$0x3F96];
	_ =	swait.ge [sflag:s4], $0x0  }
0x19: {  	s7 =	sld [smem:$0x3F97]  }
0x1a: {  	s8 =	sadd.s32 $0xFFFFE003, lr  }
0x1b: {  	s9 =	sadd.s32 $0xFFFFFEF7, lr;
	s5 =	simm.s32 $0xFFFFFFFF;
	p2 =	slt.u32 s8, $0xFFFFF086  }
0x1c: {  	p1 =	slt.u32 s9, $0xF7A;
	s5 =	simm.s32 @!p2 $0x0  }
0x1d: {  	s5 =	simm.s32 @p1 $0x1;
	p0 =	seq.s32 s7, s2  }
0x1e: {  	s7 =	smul.u32 @!p0 $0xF7A, s2;
	p2 =	seq.s32 @!p0 s5, $0x0  }
0x1f: {  	s9 =	smul.u32 $0xF7A, s1;
	s8 =	simm.s32 @!p0 $0x1BF5;
	p2 =	por !p2, p0  }
0x20: {  	[sflag:s8] =	ssyncset.s32 @!p0 $0xFFFFF086;
	s6 =	sadd.s32 @!p0 s3, s7;
	s7 =	simm.s32 @!p0 $0x108  }
0x21: {  	s3 =	sadd.s32 s3, s9;
	s6 =	sadd.s32 @!p0 $0x88, s6;
	s7 =	simm.s32 @p2 $0x1082  }
0x22: {  	[simem:s7], [sflag:s8] =	dma.local @!p0 [hbm:s6], $0xF7A  }
0x23: {  	s9 =	sor.u32 $0xD0000000, s2;
	s6 =	simm.s32 $0x108;
	_ =	swait.ge @!p0 [sflag:s8], $0x0  }
0x24: {  	s3 =	sadd.s32 $0x88, s3;
	s6 =	simm.s32 @!p1 $0x1082;
	[sflag:s4] =	ssyncset.s32 $0xFFFFF086  }
0x25: {  	[simem:s6], [sflag:s4] =	dma.local [hbm:s3], $0xF7A  }
0x26: {  	[smem:$0x3F97] =	sst s1;
	(tag) =	ssettag s2;
	_ =	strace s9  }
0x27: {  	s1 =	sld [smem:$0x3FA7]  }
0x28: {  	s2 =	sld [smem:$0x3FA8]  }
0x29: {  	s4 =	sld [smem:$0x3FAA]  }
0x2a: {  	p0 =	seq.s32 s5, $0x0;
	s5 =	sld [smem:$0x3FAB]  }
0x2b: {  	s6 =	sld [smem:$0x3FAC]  }
0x2c: {  	s7 =	sld [smem:$0x3FAD]  }
0x2d: {  	s3 =	simm.s32 $0x108;
	s8 =	sld [smem:$0x3FAE]  }
0x2e: {  	s3 =	simm.s32 @!p0 $0x1082;
	s9 =	sld [smem:$0x3FAF]  }
0x2f: {  	lr =	sadd.s32 s0, s3;
	s0 =	sld [smem:$0x3FA6]  }
0x30: {  	s3 =	sld [smem:$0x3FA9]  }
0x31: {  	[smem:$0x3FB2] =	sst s10  }
0x32: {  	s10 =	sld [smem:$0x3FB0];
	_ =	sdelay $0x3  }
0x33: {  	p0 =	seq.s32 s10, $0x1;
	s10 =	sld [smem:$0x3FB2];
	_ =	sdelay $0x3  }
0x34: {  	[smem:$0x3FB2] =	sst s10  }
0x35: {  	s10 =	sld [smem:$0x3FB1];
	_ =	sdelay $0x3  }
0x36: {  	p1 =	seq.s32 s10, $0x1;
	s10 =	sld [smem:$0x3FB2];
	_ =	sdelay $0x3  }
0x37: {  	[smem:$0x3FB2] =	sst s10  }
0x38: {  	s10 =	sld [smem:$0x3FB3]  }
0x39: {  	_ = 	snop;
	(pc) =	sbr.ind lr, $3  }
0x3a: {  	_ = 	snop  }
0x3b: {  	_ = 	snop  }
0x3c: {  	p2 =	seq.s32 s10, $0x1;
	s10 =	sld [smem:$0x3FB2]  }
0x3d: {  	_ =	shalt  }
0x3e: {  	_ =	shalt  }
0x3f: {  	_ =	shalt  }
0x40: {  	_ =	shalt  }
0x41: {  	_ =	shalt  }
0x42: {  	_ =	shalt  }
0x43: {  	_ =	shalt  }
0x44: {  	_ =	shalt  }
0x45: {  	_ =	shalt  }
0x46: {  	_ =	shalt  }
0x47: {  	_ =	shalt  }
0x48: {  	_ =	shalt  }
0x49: {  	_ =	shalt  }
0x4a: {  	_ =	shalt  }
0x4b: {  	_ =	shalt  }
0x4c: {  	_ =	shalt  }
0x4d: {  	_ =	shalt  }
0x4e: {  	_ =	shalt  }
0x4f: {  	_ =	shalt  }
0x50: {  	_ =	shalt  }
0x51: {  	_ =	shalt  }
0x52: {  	_ =	shalt  }
0x53: {  	_ =	shalt  }
0x54: {  	_ =	shalt  }
0x55: {  	_ =	shalt  }
0x56: {  	_ =	shalt  }
0x57: {  	_ =	shalt  }
0x58: {  	_ =	shalt  }
0x59: {  	_ =	shalt  }
0x5a: {  	_ =	shalt  }
0x5b: {  	_ =	shalt  }
0x5c: {  	_ =	shalt  }
0x5d: {  	_ =	shalt  }
0x5e: {  	_ =	shalt  }
0x5f: {  	_ =	shalt  }
0x60: {  	_ =	shalt  }
0x61: {  	_ =	shalt  }
0x62: {  	_ =	shalt  }
0x63: {  	_ =	shalt  }
0x64: {  	_ =	shalt  }
0x65: {  	_ =	shalt  }
0x66: {  	_ =	shalt  }
0x67: {  	_ =	shalt  }
0x68: {  	_ =	shalt  }
0x69: {  	_ =	shalt  }
0x6a: {  	_ =	shalt  }
0x6b: {  	_ =	shalt  }
0x6c: {  	_ =	shalt  }
0x6d: {  	_ =	shalt  }
0x6e: {  	_ =	shalt  }
0x6f: {  	_ =	shalt  }
0x70: {  	_ =	shalt  }
0x71: {  	_ =	shalt  }
0x72: {  	_ =	shalt  }
0x73: {  	_ =	shalt  }
0x74: {  	_ =	shalt  }
0x75: {  	_ =	shalt  }
0x76: {  	_ =	shalt  }
0x77: {  	_ =	shalt  }
0x78: {  	_ =	shalt  }
0x79: {  	_ =	shalt  }
0x7a: {  	_ =	shalt  }
0x7b: {  	_ =	shalt  }
0x7c: {  	_ =	shalt  }
0x7d: {  	_ =	shalt  }
0x7e: {  	_ =	shalt  }
0x7f: {  	_ =	shalt  }
0x80: {  	_ =	shalt  }
0x81: {  	_ =	shalt  }
0x82: {  	_ =	shalt  }
0x83: {  	_ =	shalt  }
0x84: {  	_ =	shalt  }
0x85: {  	_ =	shalt  }
0x86: {  	_ =	shalt  }
0x87: {  	_ =	shalt  }
.Lfunc_end0:
.L_simem_size_0:
called_computation.1_lowered:
.L_overlay_start_0:
0x88: {  	s2 =	sld [smem:$0x3FD9]  }
0x89: {  	s3 =	sld [smem:$0x3FFE];
	_ =	sdelay $0x1  }
0x8a: {  	s1 =	srdreg.scid  }
0x8b: {  	s0 =	sand.u32 $0x1, s1  }
0x8c: {  	s16 =	sshll.u32 s0, $0xA;
	s2 =	sadd.s32 s3, s2  }
0x8d: {  	s2 =	sadd.s32 s2, s16  }
0x8e: {  	[smem:$0x3FBE] =	sst s2  }
0x8f: {  	_ = 	snop  }
0x90: {  	(tm) =	ssettm $0x1  }
0x91: {  	s17 =	sld [smem:$0x3FFB];
	_ =	sdelay $0x3  }
0x92: {  	_ =	strace s17  }
0x93: {  	s2 =	sld [smem:$0x3FFC];
	_ =	sdelay $0x3  }
0x94: {  	_ =	strace s2  }
0x95: {  	s2 =	sld [smem:$0x3FFD];
	_ =	sdelay $0x3  }
0x96: {  	_ =	strace s2  }
0x97: {  	_ =	strace $0x8FFFFFFF  }
0x98: {  	s18 =	sld [smem:$0x3FDB];
	_ =	sdelay $0x1  }
0x99: {  	s19 =	simm.s32 $_scs_section_size  }
0x9a: {  	s4 =	simm.s32 $_size__tile_overlayer_lowered;
	s5 =	simm.s32 $_tile_overlayer_lowered  }
0x9b: {  	s22 =	simm.s32 $0x1BFF;
	s21 =	sshll.u32 s5, $0x1;
	s2 =	sadd.s32 s19, s18  }
0x9c: {  	s6 =	simm.s32 $0x0;
	s20 =	sshll.u32 s4, $0x1;
	s4 =	sadd.s32 s21, s2  }
0x9d: {  	[timem:s6], [sflag:s22] =	dma.local [hbm:s4], s20  }
0x9e: {  	_ =	swait.ge [sflag:s22], s20  }
0x9f: {  	s3 =	ssub.s32 $0x0, s20;
	[sflag:s22] =	ssyncset.done $0x0  }
0xa0: {  	[sflag:s22] =	ssyncadd.s32 s3;
	_ =	sdelay $0x1  }
0xa1: {  	s23 =	simm.s32 $0x1B8B  }
0xa2: {  	_ =	swait.ge [sflag:s23], $0x1  }
0xa3: {  	[sflag:s23] =	ssyncset.done $0x0  }
0xa4: {  	s25 =	simm.s32 $0x1B8E;
	s24 =	sld [smem:$0x3FFE];
	[sflag:s23] =	ssyncadd.s32 $0xFFFFFFFF  }
0xa5: {  	s26 =	simm.s32 $execute0_lowered;
	[smem:$0x3FD2] =	sst s25  }
0xa6: {  	s4 =	sshll.u32 s26, $0x1;
	_ =	strace $0x80000049;
	[dreg:$0x1] =	wrdreg $0xFFFFFFFF  }
0xa7: {  	s28 =	simm.s32 $_size_execute0_lowered;
	s2 =	sadd.s32 s2, s4;
	[dreg:$0x0] =	wrdreg $0x0  }
0xa8: {  	s4 =	sshll.u32 s28, $0x1;
	[dreg:$0x2] =	wrdreg s2  }
0xa9: {  	[dreg:$0x3] =	wrdreg s4  }
0xaa: {  	[dreg:$0x4] =	wrdreg $0xC0  }
0xab: {  	_ =	task [dreg:s6], $0x5FFFF  }
0xac: {  	[dreg:$0x1] =	wrdreg $0xFFFFFFFF  }
0xad: {  	[dreg:$0x0] =	wrdreg $0x60  }
0xae: {  	[dreg:$0x2] =	wrdreg s24  }
0xaf: {  	[dreg:$0x3] =	wrdreg $0x9F000  }
0xb0: {  	[dreg:$0x4] =	wrdreg $0x9  }
0xb1: {  	_ =	task.clear_ibuf [dreg:s6], $0x5FFFF;
	_ =	strace $0x90000049  }
0xb2: {  	s29 =	simm.s32 $0x9;
	_ =	strace $0x8000004B  }
0xb3: {  	_ =	swait.ge [sflag:s29], $0x1  }
0xb4: {  	[sflag:s29] =	ssyncadd.s32 $0xFFFFFFFF  }
0xb5: {  	_ =	strace $0x9000004B  }
0xb6: {  	_ =	sfence  }
0xb7: {  	s30 =	sld [smem:$0x0];
	_ =	sdelay $0x2  }
0xb8: {  	s31 =	sshll.u32 s1, $0xD;
	s1 =	sshrl.u32 s1, $0x2  }
0xb9: {  	s3 =	sand.u32 $0x4000, s31;
	s1 =	sadd.s32 s1, s30  }
0xba: {  	s0 =	sor.u32 s3, s0;
	s1 =	sshll.u32 s1, $0x11  }
0xbb: {  	s0 =	sor.u32 s1, s0  }
0xbc: {  	s0 =	sadd.s32 $0x8F2B, s0  }
0xbd: {  	[sflag:s0] =	ssyncadd.remote.s32 $0x1  }
0xbe: {  	_ =	sfence.sel $0xFFFF  }
0xbf: {  	[dreg:$0x0] =	wrdreg $0xFFFFFFFF;
	(pc) =	sbr.abs _section_cstart, $3  }
0xc0: {  	[dreg:$0x1] =	wrdreg $0xFFFFFFFF  }
0xc1: {  	_ =	task.clear_ibuf [dreg:s6], $0x2FFFF;
	_ =	strace $0x9FFFFFFF  }
0xc2: {  	(tm) =	ssettm $0x7FFFFFFF  }
0xc3: {  	_ =	shalt  }
tec
execute0_lowered:
.L_overlay_start_1:
0x0: {  	(tag) =	ssettag $0x1  }
0x1: {  	s0 =	srdreg.scid;
	s6 =	rddreg [dreg:$0x0]  }
0x2: {  	s2 =	rddreg [dreg:$0x1];
	s3 =	simm.s32 $0x0;
	s14 =	simm.s32 $0x50  }
0x3: {  	s15 =	simm.s32 $0x4F00;
	s16 =	simm.s32 $0x7700;
	s17 =	simm.s32 $0x1  }
0x4: {  	s18 =	simm.s32 $0x2;
	s19 =	simm.s32 $0x3;
	s20 =	simm.s32 $0x4  }
0x5: {  	s21 =	simm.s32 $0x4E40;
	s5 =	sand.u32 $0x1, s0;
	s0 =	stileid.u32  }
0x6: {  	s22 =	simm.s32 $0x4E90;
	s23 =	simm.s32 $0x0;
	s7 =	smul.u32 $0x14000, s0  }
0x7: {  	[smem:$0x7FF] =	sst s3;
	s1 =	sshll.u32 s5, $0x4;
	s8 =	smul.u32 $0x140000, s5  }
0x8: {  	s5 =	ssub.s32 $0x2, s5;
	s29 =	smul.u32 $0x50000, s0;
	s31 =	sshll.u32 s0, $0x6  }
0x9: {  	s4 =	sor.u32 s0, s1;
	s1 =	rddreg [dreg:$0x2];
	_ =	strace $0x8000004A  }
0xa: {  	s11 =	sshrl.u32 s5, $0x1;
	s4 =	smul.u32 $0x4EC, s4;
	s10 =	sshrl.u32 s7, $0x3  }
0xb: {  	s7 =	sadd.s32 s7, s8;
	s11 =	ssub.s32 s5, s11;
	s30 =	sshrl.u32 s29, $0x2  }
0xc: {  	s10 =	sadd.s32 s10, s6;
	s7 =	sshrl.u32 s7, $0x3;
	s13 =	sadd.s32 s30, s2  }
0xd: {  	s9 =	sadd.s32 s4, s6;
	s4 =	sadd.s32 $0x20C00, s6;
	s12 =	sadd.s32 s7, s6  }
0xe: {  	s5 =	sadd.s32 $0x48C00, s10;
	s6 =	sor.u32 $0x1C05, s31;
	s10 =	smax.u32 s11, $0x1  }
0xf: {  	s11 =	sshrl.u32 s13, $0x3;
	s13 =	simm.s32 $0x2780;
	s7 =	sadd.s32 $0x2A00, s9  }
0x10: {  	s8 =	sadd.s32 $0xC800, s9;
	s9 =	sadd.s32 $0x70C00, s12;
	s12 =	simm.s32 $0x5  }
.LBB2_1:
0x11: {  	[spmem:s11], [sflag:s6] =	dma.local [hbm:s5], $0x2800  }
0x12: {  	_ =	swait.ge [sflag:s12], $0x2800  }
0x13: {  	[sflag:s12] =	ssyncset.done $0x0  }
0x14: {  	[sflag:s12] =	ssyncadd.s32 $0xFFFFD800  }
0x15: {  	[tilespmem:s3], [sflag:$0x5] =	stream.linear.gather [hbm4b:s7+s3], $0x2760, $0x38;
	[tilespmem:$0x1DF00] =	vst v63  }
0x16: {  	_ =	swait.ge [sflag:s12], $0x2760  }
0x17: {  	[sflag:s12] =	ssyncset.done $0x0  }
0x18: {  	[sflag:s12] =	ssyncadd.s32 $0xFFFFD8A0  }
0x19: {  	[tilespmem:s13], [sflag:$0x5] =	stream.linear.gather [hbm4b:s8+s3], $0x2760, $0x38;
	[tilespmem:$0x1DF00] =	vst v63  }
0x1a: {  	_ =	swait.ge [sflag:s12], $0x2760  }
0x1b: {  	[sflag:s12] =	ssyncset.done $0x0  }
0x1c: {  	[sflag:s12] =	ssyncadd.s32 $0xFFFFD8A0  }
0x1d: {  	[bflag:$0x0] =	sbarrier.arrive $0xFFFF  }
0x1e: {  	[tilespmem:s15], [sflag:$0x1] =	stream.indirect.gather [hbm4b:s4+s14], $0x80, s3, s14, $0xb8;
	[tilespmem:$0x1DF00] =	vst v63  }
0x1f: {  	_ = 	snop  }
0x20: {  	[tilespmem:s16], [sflag:$0x2] =	stream.indirect.gather [hbm4b:s4+s14], $0x80, s14, s14, $0xb8;
	[tilespmem:$0x1DF00] =	vst v63  }
0x21: {  	_ =	swait.ge [sflag:s17], $0x2800  }
0x22: {  	[sflag:s17] =	ssyncset.done $0x0  }
0x23: {  	s24 =	simm.s32 $0x2780;
	[sflag:s17] =	ssyncadd.s32 $0xFFFFD800  }
0x24: {  	[spmem:s2] =	stream.indirect.scatter.add.f32 [tilespmem:s15], [sflag:$0x3], $0x80, s24, s14, $0xb8;
	[tilespmem:$0x1DF00] =	vst v63  }
0x25: {  	_ =	swait.ge [sflag:s18], $0x2800  }
0x26: {  	[sflag:s18] =	ssyncset.done $0x0  }
0x27: {  	s30 =	simm.s32 $0x27D0;
	[sflag:s18] =	ssyncadd.s32 $0xFFFFD800  }
0x28: {  	[spmem:s2] =	stream.indirect.scatter.add.f32 [tilespmem:s16], [sflag:$0x4], $0x80, s30, s14, $0xb8;
	[tilespmem:$0x1DF00] =	vst v63  }
0x29: {  	_ =	swait.ge [sflag:s19], $0x2800  }
0x2a: {  	[sflag:s19] =	ssyncset.done $0x0  }
0x2b: {  	s31 =	simm.s32 $0xA0;
	[sflag:s19] =	ssyncadd.s32 $0xFFFFD800  }
0x2c: {  	[tilespmem:s15], [sflag:$0x1] =	stream.indirect.gather [hbm4b:s4+s14], $0x80, s31, s14, $0xb8;
	[tilespmem:$0x1DF00] =	vst v63  }
0x2d: {  	_ =	swait.ge [sflag:s20], $0x2800  }
0x2e: {  	[sflag:s20] =	ssyncset.done $0x0  }
0x2f: {  	s25 =	simm.s32 $0xF0;
	s24 =	simm.s32 $0x280;
	[sflag:s20] =	ssyncadd.s32 $0xFFFFD800  }
.LBB2_2:
0x30: {  	[tilespmem:s16], [sflag:$0x2] =	stream.indirect.gather [hbm4b:s4+s14], $0x80, s25, s14, $0xb8;
	[tilespmem:$0x1DF00] =	vst v63  }
0x31: {  	s25 =	smov.u32 s24  }
0x32: {  	p0 =	sne.s32 s24, $0x9880;
	s24 =	sadd.s32 $0x280, s24;
	_ =	swait.ge [sflag:s17], $0x2800  }
0x33: {  	s25 =	sshra.s32 s25, $0x2;
	[sflag:s17] =	ssyncset.done $0x0  }
0x34: {  	s26 =	sadd.s32 $0x2780, s25;
	[sflag:s17] =	ssyncadd.s32 $0xFFFFD800  }
0x35: {  	[spmem:s2] =	stream.indirect.scatter.add.f32 [tilespmem:s15], [sflag:$0x3], $0x80, s26, s14, $0xb8;
	[tilespmem:$0x1DF00] =	vst v63  }
0x36: {  	_ =	swait.ge [sflag:s18], $0x2800  }
0x37: {  	[sflag:s18] =	ssyncset.done $0x0  }
0x38: {  	s26 =	sadd.s32 $0x27D0, s25;
	[sflag:s18] =	ssyncadd.s32 $0xFFFFD800  }
0x39: {  	[spmem:s2] =	stream.indirect.scatter.add.f32 [tilespmem:s16], [sflag:$0x4], $0x80, s26, s14, $0xb8;
	[tilespmem:$0x1DF00] =	vst v63  }
0x3a: {  	_ =	swait.ge [sflag:s19], $0x2800  }
0x3b: {  	[sflag:s19] =	ssyncset.done $0x0  }
.Ltmp0:
0x3c: {  	s26 =	sadd.s32 $0xA0, s25;
	[sflag:s19] =	ssyncadd.s32 $0xFFFFD800;
	(pc) =	sbr.rel @p0 .LBB2_2-.Ltmp0, $4  }
0x3d: {  	[tilespmem:s15], [sflag:$0x1] =	stream.indirect.gather [hbm4b:s4+s14], $0x80, s26, s14, $0xb8;
	[tilespmem:$0x1DF00] =	vst v63  }
0x3e: {  	_ =	swait.ge [sflag:s20], $0x2800  }
0x3f: {  	[sflag:s20] =	ssyncset.done $0x0  }
0x40: {  	s25 =	sadd.s32 $0xF0, s25;
	[sflag:s20] =	ssyncadd.s32 $0xFFFFD800  }
0x41: {  	[tilespmem:s16], [sflag:$0x2] =	stream.indirect.gather [hbm4b:s4+s14], $0x80, s25, s14, $0xb8;
	[tilespmem:$0x1DF00] =	vst v63  }
0x42: {  	_ =	swait.ge [sflag:s17], $0x2800  }
0x43: {  	[sflag:s17] =	ssyncset.done $0x0  }
0x44: {  	[sflag:s17] =	ssyncadd.s32 $0xFFFFD800  }
0x45: {  	[spmem:s2] =	stream.indirect.scatter.add.f32 [tilespmem:s15], [sflag:$0x3], $0x80, s21, s14, $0xb8;
	[tilespmem:$0x1DF00] =	vst v63  }
0x46: {  	_ =	swait.ge [sflag:s18], $0x2800  }
0x47: {  	[sflag:s18] =	ssyncset.done $0x0  }
0x48: {  	[sflag:s18] =	ssyncadd.s32 $0xFFFFD800  }
0x49: {  	[spmem:s2] =	stream.indirect.scatter.add.f32 [tilespmem:s16], [sflag:$0x4], $0x80, s22, s14, $0xb8;
	[tilespmem:$0x1DF00] =	vst v63  }
0x4a: {  	_ =	swait.ge [sflag:s19], $0x2800  }
0x4b: {  	[sflag:s19] =	ssyncset.done $0x0  }
0x4c: {  	[sflag:s19] =	ssyncadd.s32 $0xFFFFD800  }
0x4d: {  	_ =	swait.ge [sflag:s20], $0x2800  }
0x4e: {  	s23 =	sadd.s32 $0x1, s23;
	[sflag:s20] =	ssyncset.done $0x0  }
0x4f: {  	p0 =	sne.s32 s23, s10;
	[sflag:s20] =	ssyncadd.s32 $0xFFFFD800  }
.Ltmp1:
0x50: {  	[bflag:$0x0] =	sbarrier.arrive $0xFFFF;
	(pc) =	sbr.rel @p0 .LBB2_1-.Ltmp1, $4  }
0x51: {  	[hbm:s9], [sflag:s6] =	dma.local [spmem:s11], $0x2800  }
0x52: {  	_ =	swait.ge [sflag:s12], $0x2800  }
0x53: {  	[sflag:s12] =	ssyncset.done $0x0  }
0x54: {  	[sflag:s12] =	ssyncadd.s32 $0xFFFFD800  }
0x55: {  	_ =	sfence.sel $0x180000  }
0x56: {  	[bflag:$0x0] =	sbarrier.arrive $0xFFFF  }
0x57: {  	p0 =	sne.s32 s0, $0x0;
	_ =	strace $0x9000004A  }
0x58: {  	s0 =	sadd.s32 @!p0 $0x100000, s1;
	[bflag:$0x2] =	sbarrier.arrive $0xFFFF  }
0x59: {  	[sflag:s0] =	ssyncadd.tile.s32 @!p0 $0x1;
	_ =	shalt  }
.Lfunc_end2:
_tile_overlayer_lowered:
.L_overlay_start_2:
0x5a: {  	(tag) =	ssettag $0x2  }
0x5b: {  	s0 =	rddreg [dreg:$0x0];
	s2 =	stileid.u32  }
0x5c: {  	s1 =	rddreg [dreg:$0x1];
	p0 =	sne.s32 s2, $0x0  }
0x5d: {  	s3 =	rddreg [dreg:$0x2];
	[bflag:$0x3] =	sbarrier.arrive $0xFFFF;
	s2 =	simm.s32 @!p0 $0x1C05  }
0x5e: {  	[timem:s3], [sflag:s2] =	dma.local @!p0 [hbm:s0], s1  }
0x5f: {  	s0 =	simm.s32 @!p0 $0x5  }
0x60: {  	_ =	swait.ge @!p0 [sflag:s0], s1  }
0x61: {  	s1 =	ssub.s32 @!p0 $0x0, s1;
	[sflag:s0] =	ssyncset.done @!p0 $0x0  }
0x62: {  	[sflag:s0] =	ssyncadd.s32 @!p0 s1  }
0x63: {  	[bflag:$0x3] =	sbarrier.arrive $0xFFFF  }
0x64: {  	_ =	shalt  }

// kernel: kernel.14.cloned.1.call-start
scs
__scs_entry_jumppad:
0x0: {  	(pc) =	sbr.rel $0x88, $3  }
0x1: {  	(tag) =	ssettag $0x0;
	lr =	simm.s32 $0x1  }
0x2: {  	[smem:$0x3F97] =	sst lr;
	_ =	strace $0xD0000000  }
0x3: {  	_ = 	snop  }
0x4: {  	_ = 	snop  }
0x5: {  	_ = 	snop  }
0x6: {  	_ = 	snop  }
0x7: {  	_ = 	snop  }
__scs_overlays_trampoline_lowered:
0x8: {  	[smem:$0x3FA6] =	sst s0  }
0x9: {  	[smem:$0x3FA7] =	sst s1  }
0xa: {  	[smem:$0x3FA8] =	sst s2  }
0xb: {  	[smem:$0x3FA9] =	sst s3  }
0xc: {  	[smem:$0x3FAA] =	sst s4  }
0xd: {  	[smem:$0x3FAB] =	sst s5  }
0xe: {  	[smem:$0x3FAC] =	sst s6  }
0xf: {  	[smem:$0x3FAD] =	sst s7  }
0x10: {  	[smem:$0x3FAE] =	sst s8  }
0x11: {  	[smem:$0x3FAF] =	sst s9;
	s0 =	simm.s32 @!p0 $0x0  }
0x12: {  	s1 =	sld [smem:$0x3F95];
	s0 =	simm.s32 @p0 $0x1  }
0x13: {  	[smem:$0x3FB0] =	sst s0;
	s0 =	simm.s32 @!p1 $0x0  }
0x14: {  	s2 =	sld [smem:$0x3F94];
	s0 =	simm.s32 @p1 $0x1  }
0x15: {  	[smem:$0x3FB1] =	sst s0;
	s0 =	simm.s32 @!p2 $0x0  }
0x16: {  	s3 =	sld [smem:$0x3FDB];
	s0 =	simm.s32 @p2 $0x1  }
0x17: {  	s4 =	simm.s32 $0x1BF5;
	[smem:$0x3FB3] =	sst s0  }
0x18: {  	s0 =	sld [smem:$0x3F96];
	_ =	swait.ge [sflag:s4], $0x0  }
0x19: {  	s7 =	sld [smem:$0x3F97]  }
0x1a: {  	s8 =	sadd.s32 $0xFFFFE003, lr  }
0x1b: {  	s9 =	sadd.s32 $0xFFFFFEF7, lr;
	s5 =	simm.s32 $0xFFFFFFFF;
	p2 =	slt.u32 s8, $0xFFFFF086  }
0x1c: {  	p1 =	slt.u32 s9, $0xF7A;
	s5 =	simm.s32 @!p2 $0x0  }
0x1d: {  	s5 =	simm.s32 @p1 $0x1;
	p0 =	seq.s32 s7, s2  }
0x1e: {  	s7 =	smul.u32 @!p0 $0xF7A, s2;
	p2 =	seq.s32 @!p0 s5, $0x0  }
0x1f: {  	s9 =	smul.u32 $0xF7A, s1;
	s8 =	simm.s32 @!p0 $0x1BF5;
	p2 =	por !p2, p0  }
0x20: {  	[sflag:s8] =	ssyncset.s32 @!p0 $0xFFFFF086;
	s6 =	sadd.s32 @!p0 s3, s7;
	s7 =	simm.s32 @!p0 $0x108  }
0x21: {  	s3 =	sadd.s32 s3, s9;
	s6 =	sadd.s32 @!p0 $0x88, s6;
	s7 =	simm.s32 @p2 $0x1082  }
0x22: {  	[simem:s7], [sflag:s8] =	dma.local @!p0 [hbm:s6], $0xF7A  }
0x23: {  	s9 =	sor.u32 $0xD0000000, s2;
	s6 =	simm.s32 $0x108;
	_ =	swait.ge @!p0 [sflag:s8], $0x0  }
0x24: {  	s3 =	sadd.s32 $0x88, s3;
	s6 =	simm.s32 @!p1 $0x1082;
	[sflag:s4] =	ssyncset.s32 $0xFFFFF086  }
0x25: {  	[simem:s6], [sflag:s4] =	dma.local [hbm:s3], $0xF7A  }
0x26: {  	[smem:$0x3F97] =	sst s1;
	(tag) =	ssettag s2;
	_ =	strace s9  }
0x27: {  	s1 =	sld [smem:$0x3FA7]  }
0x28: {  	s2 =	sld [smem:$0x3FA8]  }
0x29: {  	s4 =	sld [smem:$0x3FAA]  }
0x2a: {  	p0 =	seq.s32 s5, $0x0;
	s5 =	sld [smem:$0x3FAB]  }
0x2b: {  	s6 =	sld [smem:$0x3FAC]  }
0x2c: {  	s7 =	sld [smem:$0x3FAD]  }
0x2d: {  	s3 =	simm.s32 $0x108;
	s8 =	sld [smem:$0x3FAE]  }
0x2e: {  	s3 =	simm.s32 @!p0 $0x1082;
	s9 =	sld [smem:$0x3FAF]  }
0x2f: {  	lr =	sadd.s32 s0, s3;
	s0 =	sld [smem:$0x3FA6]  }
0x30: {  	s3 =	sld [smem:$0x3FA9]  }
0x31: {  	[smem:$0x3FB2] =	sst s10  }
0x32: {  	s10 =	sld [smem:$0x3FB0];
	_ =	sdelay $0x3  }
0x33: {  	p0 =	seq.s32 s10, $0x1;
	s10 =	sld [smem:$0x3FB2];
	_ =	sdelay $0x3  }
0x34: {  	[smem:$0x3FB2] =	sst s10  }
0x35: {  	s10 =	sld [smem:$0x3FB1];
	_ =	sdelay $0x3  }
0x36: {  	p1 =	seq.s32 s10, $0x1;
	s10 =	sld [smem:$0x3FB2];
	_ =	sdelay $0x3  }
0x37: {  	[smem:$0x3FB2] =	sst s10  }
0x38: {  	s10 =	sld [smem:$0x3FB3]  }
0x39: {  	_ = 	snop;
	(pc) =	sbr.ind lr, $3  }
0x3a: {  	_ = 	snop  }
0x3b: {  	_ = 	snop  }
0x3c: {  	p2 =	seq.s32 s10, $0x1;
	s10 =	sld [smem:$0x3FB2]  }
0x3d: {  	_ =	shalt  }
0x3e: {  	_ =	shalt  }
0x3f: {  	_ =	shalt  }
0x40: {  	_ =	shalt  }
0x41: {  	_ =	shalt  }
0x42: {  	_ =	shalt  }
0x43: {  	_ =	shalt  }
0x44: {  	_ =	shalt  }
0x45: {  	_ =	shalt  }
0x46: {  	_ =	shalt  }
0x47: {  	_ =	shalt  }
0x48: {  	_ =	shalt  }
0x49: {  	_ =	shalt  }
0x4a: {  	_ =	shalt  }
0x4b: {  	_ =	shalt  }
0x4c: {  	_ =	shalt  }
0x4d: {  	_ =	shalt  }
0x4e: {  	_ =	shalt  }
0x4f: {  	_ =	shalt  }
0x50: {  	_ =	shalt  }
0x51: {  	_ =	shalt  }
0x52: {  	_ =	shalt  }
0x53: {  	_ =	shalt  }
0x54: {  	_ =	shalt  }
0x55: {  	_ =	shalt  }
0x56: {  	_ =	shalt  }
0x57: {  	_ =	shalt  }
0x58: {  	_ =	shalt  }
0x59: {  	_ =	shalt  }
0x5a: {  	_ =	shalt  }
0x5b: {  	_ =	shalt  }
0x5c: {  	_ =	shalt  }
0x5d: {  	_ =	shalt  }
0x5e: {  	_ =	shalt  }
0x5f: {  	_ =	shalt  }
0x60: {  	_ =	shalt  }
0x61: {  	_ =	shalt  }
0x62: {  	_ =	shalt  }
0x63: {  	_ =	shalt  }
0x64: {  	_ =	shalt  }
0x65: {  	_ =	shalt  }
0x66: {  	_ =	shalt  }
0x67: {  	_ =	shalt  }
0x68: {  	_ =	shalt  }
0x69: {  	_ =	shalt  }
0x6a: {  	_ =	shalt  }
0x6b: {  	_ =	shalt  }
0x6c: {  	_ =	shalt  }
0x6d: {  	_ =	shalt  }
0x6e: {  	_ =	shalt  }
0x6f: {  	_ =	shalt  }
0x70: {  	_ =	shalt  }
0x71: {  	_ =	shalt  }
0x72: {  	_ =	shalt  }
0x73: {  	_ =	shalt  }
0x74: {  	_ =	shalt  }
0x75: {  	_ =	shalt  }
0x76: {  	_ =	shalt  }
0x77: {  	_ =	shalt  }
0x78: {  	_ =	shalt  }
0x79: {  	_ =	shalt  }
0x7a: {  	_ =	shalt  }
0x7b: {  	_ =	shalt  }
0x7c: {  	_ =	shalt  }
0x7d: {  	_ =	shalt  }
0x7e: {  	_ =	shalt  }
0x7f: {  	_ =	shalt  }
0x80: {  	_ =	shalt  }
0x81: {  	_ =	shalt  }
0x82: {  	_ =	shalt  }
0x83: {  	_ =	shalt  }
0x84: {  	_ =	shalt  }
0x85: {  	_ =	shalt  }
0x86: {  	_ =	shalt  }
0x87: {  	_ =	shalt  }
.Lfunc_end0:
.L_simem_size_0:
called_computation.2_lowered:
.L_overlay_start_0:
0x88: {  	s2 =	sld [smem:$0x3FD9]  }
0x89: {  	s3 =	sld [smem:$0x3FFE];
	_ =	sdelay $0x1  }
0x8a: {  	s1 =	srdreg.scid  }
0x8b: {  	s0 =	sand.u32 $0x1, s1  }
0x8c: {  	s16 =	sshll.u32 s0, $0xA;
	s2 =	sadd.s32 s3, s2  }
0x8d: {  	s2 =	sadd.s32 s2, s16  }
0x8e: {  	[smem:$0x3FBE] =	sst s2  }
0x8f: {  	_ = 	snop  }
0x90: {  	(tm) =	ssettm $0x1  }
0x91: {  	s17 =	sld [smem:$0x3FFB];
	_ =	sdelay $0x3  }
0x92: {  	_ =	strace s17  }
0x93: {  	s2 =	sld [smem:$0x3FFC];
	_ =	sdelay $0x3  }
0x94: {  	_ =	strace s2  }
0x95: {  	s2 =	sld [smem:$0x3FFD];
	_ =	sdelay $0x3  }
0x96: {  	_ =	strace s2  }
0x97: {  	_ =	strace $0x8FFFFFFF  }
0x98: {  	s18 =	sld [smem:$0x3FDB];
	_ =	sdelay $0x1  }
0x99: {  	s19 =	simm.s32 $_scs_section_size  }
0x9a: {  	s4 =	simm.s32 $_size__tile_overlayer_lowered;
	s5 =	simm.s32 $_tile_overlayer_lowered  }
0x9b: {  	s22 =	simm.s32 $0x1BFF;
	s21 =	sshll.u32 s5, $0x1;
	s2 =	sadd.s32 s19, s18  }
0x9c: {  	s6 =	simm.s32 $0x0;
	s20 =	sshll.u32 s4, $0x1;
	s4 =	sadd.s32 s21, s2  }
0x9d: {  	[timem:s6], [sflag:s22] =	dma.local [hbm:s4], s20  }
0x9e: {  	_ =	swait.ge [sflag:s22], s20  }
0x9f: {  	s3 =	ssub.s32 $0x0, s20;
	[sflag:s22] =	ssyncset.done $0x0  }
0xa0: {  	[sflag:s22] =	ssyncadd.s32 s3;
	_ =	sdelay $0x1  }
0xa1: {  	s23 =	simm.s32 $0x1B8B  }
0xa2: {  	_ =	swait.ge [sflag:s23], $0x1  }
0xa3: {  	[sflag:s23] =	ssyncset.done $0x0  }
0xa4: {  	s25 =	simm.s32 $0x1B8E;
	s24 =	sld [smem:$0x3FFE];
	[sflag:s23] =	ssyncadd.s32 $0xFFFFFFFF  }
0xa5: {  	s26 =	simm.s32 $execute0_lowered;
	[smem:$0x3FD2] =	sst s25  }
0xa6: {  	s4 =	sshll.u32 s26, $0x1;
	_ =	strace $0x8000004C;
	[dreg:$0x1] =	wrdreg $0xFFFFFFFF  }
0xa7: {  	s28 =	simm.s32 $_size_execute0_lowered;
	s2 =	sadd.s32 s2, s4;
	[dreg:$0x0] =	wrdreg $0x0  }
0xa8: {  	s4 =	sshll.u32 s28, $0x1;
	[dreg:$0x2] =	wrdreg s2  }
0xa9: {  	[dreg:$0x3] =	wrdreg s4  }
0xaa: {  	[dreg:$0x4] =	wrdreg $0xC0  }
0xab: {  	_ =	task [dreg:s6], $0x5FFFF  }
0xac: {  	[dreg:$0x1] =	wrdreg $0xFFFFFFFF  }
0xad: {  	[dreg:$0x0] =	wrdreg $0x60  }
0xae: {  	[dreg:$0x2] =	wrdreg s24  }
0xaf: {  	[dreg:$0x3] =	wrdreg $0x9F000  }
0xb0: {  	[dreg:$0x4] =	wrdreg $0x9  }
0xb1: {  	_ =	task.clear_ibuf [dreg:s6], $0x5FFFF;
	_ =	strace $0x9000004C  }
0xb2: {  	s29 =	simm.s32 $0x9;
	_ =	strace $0x8000004E  }
0xb3: {  	_ =	swait.ge [sflag:s29], $0x1  }
0xb4: {  	[sflag:s29] =	ssyncadd.s32 $0xFFFFFFFF  }
0xb5: {  	_ =	strace $0x9000004E  }
0xb6: {  	_ =	sfence  }
0xb7: {  	s30 =	sld [smem:$0x0];
	_ =	sdelay $0x2  }
0xb8: {  	s31 =	sshll.u32 s1, $0xD;
	s1 =	sshrl.u32 s1, $0x2  }
0xb9: {  	s3 =	sand.u32 $0x4000, s31;
	s1 =	sadd.s32 s1, s30  }
0xba: {  	s0 =	sor.u32 s3, s0;
	s1 =	sshll.u32 s1, $0x11  }
0xbb: {  	s0 =	sor.u32 s1, s0  }
0xbc: {  	s0 =	sadd.s32 $0x8F2B, s0  }
0xbd: {  	[sflag:s0] =	ssyncadd.remote.s32 $0x1  }
0xbe: {  	_ =	sfence.sel $0xFFFF  }
0xbf: {  	[dreg:$0x0] =	wrdreg $0xFFFFFFFF;
	(pc) =	sbr.abs _section_cstart, $3  }
0xc0: {  	[dreg:$0x1] =	wrdreg $0xFFFFFFFF  }
0xc1: {  	_ =	task.clear_ibuf [dreg:s6], $0x2FFFF;
	_ =	strace $0x9FFFFFFF  }
0xc2: {  	(tm) =	ssettm $0x7FFFFFFF  }
0xc3: {  	_ =	shalt  }
tec
execute0_lowered:
.L_overlay_start_1:
0x0: {  	(tag) =	ssettag $0x1  }
0x1: {  	s0 =	srdreg.scid;
	s6 =	rddreg [dreg:$0x0]  }
0x2: {  	s2 =	rddreg [dreg:$0x1];
	s3 =	simm.s32 $0x0;
	s14 =	simm.s32 $0x50  }
0x3: {  	s15 =	simm.s32 $0x4F00;
	s16 =	simm.s32 $0x7700;
	s17 =	simm.s32 $0x1  }
0x4: {  	s18 =	simm.s32 $0x2;
	s19 =	simm.s32 $0x3;
	s20 =	simm.s32 $0x4  }
0x5: {  	s21 =	simm.s32 $0x4E40;
	s5 =	sand.u32 $0x1, s0;
	s0 =	stileid.u32  }
0x6: {  	s22 =	simm.s32 $0x4E90;
	s23 =	simm.s32 $0x0;
	s7 =	smul.u32 $0x14000, s0  }
0x7: {  	[smem:$0x7FF] =	sst s3;
	s1 =	sshll.u32 s5, $0x4;
	s8 =	smul.u32 $0x140000, s5  }
0x8: {  	s5 =	ssub.s32 $0x2, s5;
	s29 =	smul.u32 $0x50000, s0;
	s31 =	sshll.u32 s0, $0x6  }
0x9: {  	s4 =	sor.u32 s0, s1;
	s1 =	rddreg [dreg:$0x2];
	_ =	strace $0x8000004D  }
0xa: {  	s11 =	sshrl.u32 s5, $0x1;
	s4 =	smul.u32 $0x4EC, s4;
	s10 =	sshrl.u32 s7, $0x3  }
0xb: {  	s7 =	sadd.s32 s7, s8;
	s11 =	ssub.s32 s5, s11;
	s30 =	sshrl.u32 s29, $0x2  }
0xc: {  	s10 =	sadd.s32 s10, s6;
	s7 =	sshrl.u32 s7, $0x3;
	s13 =	sadd.s32 s30, s2  }
0xd: {  	s9 =	sadd.s32 s4, s6;
	s4 =	sadd.s32 $0x16600, s6;
	s12 =	sadd.s32 s7, s6  }
0xe: {  	s5 =	sadd.s32 $0x48C00, s10;
	s6 =	sor.u32 $0x1C05, s31;
	s10 =	smax.u32 s11, $0x1  }
0xf: {  	s11 =	sshrl.u32 s13, $0x3;
	s13 =	simm.s32 $0x2780;
	s7 =	sadd.s32 $0x2A00, s9  }
0x10: {  	s8 =	sadd.s32 $0xC800, s9;
	s9 =	sadd.s32 $0x70C00, s12;
	s12 =	simm.s32 $0x5  }
.LBB2_1:
0x11: {  	[spmem:s11], [sflag:s6] =	dma.local [hbm:s5], $0x2800  }
0x12: {  	_ =	swait.ge [sflag:s12], $0x2800  }
0x13: {  	[sflag:s12] =	ssyncset.done $0x0  }
0x14: {  	[sflag:s12] =	ssyncadd.s32 $0xFFFFD800  }
0x15: {  	[tilespmem:s3], [sflag:$0x5] =	stream.linear.gather [hbm4b:s7+s3], $0x2760, $0x38;
	[tilespmem:$0x1DF00] =	vst v63  }
0x16: {  	_ =	swait.ge [sflag:s12], $0x2760  }
0x17: {  	[sflag:s12] =	ssyncset.done $0x0  }
0x18: {  	[sflag:s12] =	ssyncadd.s32 $0xFFFFD8A0  }
0x19: {  	[tilespmem:s13], [sflag:$0x5] =	stream.linear.gather [hbm4b:s8+s3], $0x2760, $0x38;
	[tilespmem:$0x1DF00] =	vst v63  }
0x1a: {  	_ =	swait.ge [sflag:s12], $0x2760  }
0x1b: {  	[sflag:s12] =	ssyncset.done $0x0  }
0x1c: {  	[sflag:s12] =	ssyncadd.s32 $0xFFFFD8A0  }
0x1d: {  	[bflag:$0x0] =	sbarrier.arrive $0xFFFF  }
0x1e: {  	[tilespmem:s15], [sflag:$0x1] =	stream.indirect.gather [hbm4b:s4+s14], $0x80, s3, s14, $0xb8;
	[tilespmem:$0x1DF00] =	vst v63  }
0x1f: {  	_ = 	snop  }
0x20: {  	[tilespmem:s16], [sflag:$0x2] =	stream.indirect.gather [hbm4b:s4+s14], $0x80, s14, s14, $0xb8;
	[tilespmem:$0x1DF00] =	vst v63  }
0x21: {  	_ =	swait.ge [sflag:s17], $0x2800  }
0x22: {  	[sflag:s17] =	ssyncset.done $0x0  }
0x23: {  	s24 =	simm.s32 $0x2780;
	[sflag:s17] =	ssyncadd.s32 $0xFFFFD800  }
0x24: {  	[spmem:s2] =	stream.indirect.scatter.add.f32 [tilespmem:s15], [sflag:$0x3], $0x80, s24, s14, $0xb8;
	[tilespmem:$0x1DF00] =	vst v63  }
0x25: {  	_ =	swait.ge [sflag:s18], $0x2800  }
0x26: {  	[sflag:s18] =	ssyncset.done $0x0  }
0x27: {  	s30 =	simm.s32 $0x27D0;
	[sflag:s18] =	ssyncadd.s32 $0xFFFFD800  }
0x28: {  	[spmem:s2] =	stream.indirect.scatter.add.f32 [tilespmem:s16], [sflag:$0x4], $0x80, s30, s14, $0xb8;
	[tilespmem:$0x1DF00] =	vst v63  }
0x29: {  	_ =	swait.ge [sflag:s19], $0x2800  }
0x2a: {  	[sflag:s19] =	ssyncset.done $0x0  }
0x2b: {  	s31 =	simm.s32 $0xA0;
	[sflag:s19] =	ssyncadd.s32 $0xFFFFD800  }
0x2c: {  	[tilespmem:s15], [sflag:$0x1] =	stream.indirect.gather [hbm4b:s4+s14], $0x80, s31, s14, $0xb8;
	[tilespmem:$0x1DF00] =	vst v63  }
0x2d: {  	_ =	swait.ge [sflag:s20], $0x2800  }
0x2e: {  	[sflag:s20] =	ssyncset.done $0x0  }
0x2f: {  	s25 =	simm.s32 $0xF0;
	s24 =	simm.s32 $0x280;
	[sflag:s20] =	ssyncadd.s32 $0xFFFFD800  }
.LBB2_2:
0x30: {  	[tilespmem:s16], [sflag:$0x2] =	stream.indirect.gather [hbm4b:s4+s14], $0x80, s25, s14, $0xb8;
	[tilespmem:$0x1DF00] =	vst v63  }
0x31: {  	s25 =	smov.u32 s24  }
0x32: {  	p0 =	sne.s32 s24, $0x9880;
	s24 =	sadd.s32 $0x280, s24;
	_ =	swait.ge [sflag:s17], $0x2800  }
0x33: {  	s25 =	sshra.s32 s25, $0x2;
	[sflag:s17] =	ssyncset.done $0x0  }
0x34: {  	s26 =	sadd.s32 $0x2780, s25;
	[sflag:s17] =	ssyncadd.s32 $0xFFFFD800  }
0x35: {  	[spmem:s2] =	stream.indirect.scatter.add.f32 [tilespmem:s15], [sflag:$0x3], $0x80, s26, s14, $0xb8;
	[tilespmem:$0x1DF00] =	vst v63  }
0x36: {  	_ =	swait.ge [sflag:s18], $0x2800  }
0x37: {  	[sflag:s18] =	ssyncset.done $0x0  }
0x38: {  	s26 =	sadd.s32 $0x27D0, s25;
	[sflag:s18] =	ssyncadd.s32 $0xFFFFD800  }
0x39: {  	[spmem:s2] =	stream.indirect.scatter.add.f32 [tilespmem:s16], [sflag:$0x4], $0x80, s26, s14, $0xb8;
	[tilespmem:$0x1DF00] =	vst v63  }
0x3a: {  	_ =	swait.ge [sflag:s19], $0x2800  }
0x3b: {  	[sflag:s19] =	ssyncset.done $0x0  }
.Ltmp0:
0x3c: {  	s26 =	sadd.s32 $0xA0, s25;
	[sflag:s19] =	ssyncadd.s32 $0xFFFFD800;
	(pc) =	sbr.rel @p0 .LBB2_2-.Ltmp0, $4  }
0x3d: {  	[tilespmem:s15], [sflag:$0x1] =	stream.indirect.gather [hbm4b:s4+s14], $0x80, s26, s14, $0xb8;
	[tilespmem:$0x1DF00] =	vst v63  }
0x3e: {  	_ =	swait.ge [sflag:s20], $0x2800  }
0x3f: {  	[sflag:s20] =	ssyncset.done $0x0  }
0x40: {  	s25 =	sadd.s32 $0xF0, s25;
	[sflag:s20] =	ssyncadd.s32 $0xFFFFD800  }
0x41: {  	[tilespmem:s16], [sflag:$0x2] =	stream.indirect.gather [hbm4b:s4+s14], $0x80, s25, s14, $0xb8;
	[tilespmem:$0x1DF00] =	vst v63  }
0x42: {  	_ =	swait.ge [sflag:s17], $0x2800  }
0x43: {  	[sflag:s17] =	ssyncset.done $0x0  }
0x44: {  	[sflag:s17] =	ssyncadd.s32 $0xFFFFD800  }
0x45: {  	[spmem:s2] =	stream.indirect.scatter.add.f32 [tilespmem:s15], [sflag:$0x3], $0x80, s21, s14, $0xb8;
	[tilespmem:$0x1DF00] =	vst v63  }
0x46: {  	_ =	swait.ge [sflag:s18], $0x2800  }
0x47: {  	[sflag:s18] =	ssyncset.done $0x0  }
0x48: {  	[sflag:s18] =	ssyncadd.s32 $0xFFFFD800  }
0x49: {  	[spmem:s2] =	stream.indirect.scatter.add.f32 [tilespmem:s16], [sflag:$0x4], $0x80, s22, s14, $0xb8;
	[tilespmem:$0x1DF00] =	vst v63  }
0x4a: {  	_ =	swait.ge [sflag:s19], $0x2800  }
0x4b: {  	[sflag:s19] =	ssyncset.done $0x0  }
0x4c: {  	[sflag:s19] =	ssyncadd.s32 $0xFFFFD800  }
0x4d: {  	_ =	swait.ge [sflag:s20], $0x2800  }
0x4e: {  	s23 =	sadd.s32 $0x1, s23;
	[sflag:s20] =	ssyncset.done $0x0  }
0x4f: {  	p0 =	sne.s32 s23, s10;
	[sflag:s20] =	ssyncadd.s32 $0xFFFFD800  }
.Ltmp1:
0x50: {  	[bflag:$0x0] =	sbarrier.arrive $0xFFFF;
	(pc) =	sbr.rel @p0 .LBB2_1-.Ltmp1, $4  }
0x51: {  	[hbm:s9], [sflag:s6] =	dma.local [spmem:s11], $0x2800  }
0x52: {  	_ =	swait.ge [sflag:s12], $0x2800  }
0x53: {  	[sflag:s12] =	ssyncset.done $0x0  }
0x54: {  	[sflag:s12] =	ssyncadd.s32 $0xFFFFD800  }
0x55: {  	_ =	sfence.sel $0x180000  }
0x56: {  	[bflag:$0x0] =	sbarrier.arrive $0xFFFF  }
0x57: {  	p0 =	sne.s32 s0, $0x0;
	_ =	strace $0x9000004D  }
0x58: {  	s0 =	sadd.s32 @!p0 $0x100000, s1;
	[bflag:$0x2] =	sbarrier.arrive $0xFFFF  }
0x59: {  	[sflag:s0] =	ssyncadd.tile.s32 @!p0 $0x1;
	_ =	shalt  }
.Lfunc_end2:
_tile_overlayer_lowered:
.L_overlay_start_2:
0x5a: {  	(tag) =	ssettag $0x2  }
0x5b: {  	s0 =	rddreg [dreg:$0x0];
	s2 =	stileid.u32  }
0x5c: {  	s1 =	rddreg [dreg:$0x1];
	p0 =	sne.s32 s2, $0x0  }
0x5d: {  	s3 =	rddreg [dreg:$0x2];
	[bflag:$0x3] =	sbarrier.arrive $0xFFFF;
	s2 =	simm.s32 @!p0 $0x1C05  }
0x5e: {  	[timem:s3], [sflag:s2] =	dma.local @!p0 [hbm:s0], s1  }
0x5f: {  	s0 =	simm.s32 @!p0 $0x5  }
0x60: {  	_ =	swait.ge @!p0 [sflag:s0], s1  }
0x61: {  	s1 =	ssub.s32 @!p0 $0x0, s1;
	[sflag:s0] =	ssyncset.done @!p0 $0x0  }
0x62: {  	[sflag:s0] =	ssyncadd.s32 @!p0 s1  }
0x63: {  	[bflag:$0x3] =	sbarrier.arrive $0xFFFF  }
0x64: {  	_ =	shalt  }

// kernel: kernel.8.cloned.1.call-start
scs
__scs_entry_jumppad:
0x0: {  	(pc) =	sbr.rel $0x88, $3  }
0x1: {  	(tag) =	ssettag $0x0;
	lr =	simm.s32 $0x1  }
0x2: {  	[smem:$0x3F97] =	sst lr;
	_ =	strace $0xD0000000  }
0x3: {  	_ = 	snop  }
0x4: {  	_ = 	snop  }
0x5: {  	_ = 	snop  }
0x6: {  	_ = 	snop  }
0x7: {  	_ = 	snop  }
__scs_overlays_trampoline_lowered:
0x8: {  	[smem:$0x3FA6] =	sst s0  }
0x9: {  	[smem:$0x3FA7] =	sst s1  }
0xa: {  	[smem:$0x3FA8] =	sst s2  }
0xb: {  	[smem:$0x3FA9] =	sst s3  }
0xc: {  	[smem:$0x3FAA] =	sst s4  }
0xd: {  	[smem:$0x3FAB] =	sst s5  }
0xe: {  	[smem:$0x3FAC] =	sst s6  }
0xf: {  	[smem:$0x3FAD] =	sst s7  }
0x10: {  	[smem:$0x3FAE] =	sst s8  }
0x11: {  	[smem:$0x3FAF] =	sst s9;
	s0 =	simm.s32 @!p0 $0x0  }
0x12: {  	s1 =	sld [smem:$0x3F95];
	s0 =	simm.s32 @p0 $0x1  }
0x13: {  	[smem:$0x3FB0] =	sst s0;
	s0 =	simm.s32 @!p1 $0x0  }
0x14: {  	s2 =	sld [smem:$0x3F94];
	s0 =	simm.s32 @p1 $0x1  }
0x15: {  	[smem:$0x3FB1] =	sst s0;
	s0 =	simm.s32 @!p2 $0x0  }
0x16: {  	s3 =	sld [smem:$0x3FDB];
	s0 =	simm.s32 @p2 $0x1  }
0x17: {  	s4 =	simm.s32 $0x1BF5;
	[smem:$0x3FB3] =	sst s0  }
0x18: {  	s0 =	sld [smem:$0x3F96];
	_ =	swait.ge [sflag:s4], $0x0  }
0x19: {  	s7 =	sld [smem:$0x3F97]  }
0x1a: {  	s8 =	sadd.s32 $0xFFFFE003, lr  }
0x1b: {  	s9 =	sadd.s32 $0xFFFFFEF7, lr;
	s5 =	simm.s32 $0xFFFFFFFF;
	p2 =	slt.u32 s8, $0xFFFFF086  }
0x1c: {  	p1 =	slt.u32 s9, $0xF7A;
	s5 =	simm.s32 @!p2 $0x0  }
0x1d: {  	s5 =	simm.s32 @p1 $0x1;
	p0 =	seq.s32 s7, s2  }
0x1e: {  	s7 =	smul.u32 @!p0 $0xF7A, s2;
	p2 =	seq.s32 @!p0 s5, $0x0  }
0x1f: {  	s9 =	smul.u32 $0xF7A, s1;
	s8 =	simm.s32 @!p0 $0x1BF5;
	p2 =	por !p2, p0  }
0x20: {  	[sflag:s8] =	ssyncset.s32 @!p0 $0xFFFFF086;
	s6 =	sadd.s32 @!p0 s3, s7;
	s7 =	simm.s32 @!p0 $0x108  }
0x21: {  	s3 =	sadd.s32 s3, s9;
	s6 =	sadd.s32 @!p0 $0x88, s6;
	s7 =	simm.s32 @p2 $0x1082  }
0x22: {  	[simem:s7], [sflag:s8] =	dma.local @!p0 [hbm:s6], $0xF7A  }
0x23: {  	s9 =	sor.u32 $0xD0000000, s2;
	s6 =	simm.s32 $0x108;
	_ =	swait.ge @!p0 [sflag:s8], $0x0  }
0x24: {  	s3 =	sadd.s32 $0x88, s3;
	s6 =	simm.s32 @!p1 $0x1082;
	[sflag:s4] =	ssyncset.s32 $0xFFFFF086  }
0x25: {  	[simem:s6], [sflag:s4] =	dma.local [hbm:s3], $0xF7A  }
0x26: {  	[smem:$0x3F97] =	sst s1;
	(tag) =	ssettag s2;
	_ =	strace s9  }
0x27: {  	s1 =	sld [smem:$0x3FA7]  }
0x28: {  	s2 =	sld [smem:$0x3FA8]  }
0x29: {  	s4 =	sld [smem:$0x3FAA]  }
0x2a: {  	p0 =	seq.s32 s5, $0x0;
	s5 =	sld [smem:$0x3FAB]  }
0x2b: {  	s6 =	sld [smem:$0x3FAC]  }
0x2c: {  	s7 =	sld [smem:$0x3FAD]  }
0x2d: {  	s3 =	simm.s32 $0x108;
	s8 =	sld [smem:$0x3FAE]  }
0x2e: {  	s3 =	simm.s32 @!p0 $0x1082;
	s9 =	sld [smem:$0x3FAF]  }
0x2f: {  	lr =	sadd.s32 s0, s3;
	s0 =	sld [smem:$0x3FA6]  }
0x30: {  	s3 =	sld [smem:$0x3FA9]  }
0x31: {  	[smem:$0x3FB2] =	sst s10  }
0x32: {  	s10 =	sld [smem:$0x3FB0];
	_ =	sdelay $0x3  }
0x33: {  	p0 =	seq.s32 s10, $0x1;
	s10 =	sld [smem:$0x3FB2];
	_ =	sdelay $0x3  }
0x34: {  	[smem:$0x3FB2] =	sst s10  }
0x35: {  	s10 =	sld [smem:$0x3FB1];
	_ =	sdelay $0x3  }
0x36: {  	p1 =	seq.s32 s10, $0x1;
	s10 =	sld [smem:$0x3FB2];
	_ =	sdelay $0x3  }
0x37: {  	[smem:$0x3FB2] =	sst s10  }
0x38: {  	s10 =	sld [smem:$0x3FB3]  }
0x39: {  	_ = 	snop;
	(pc) =	sbr.ind lr, $3  }
0x3a: {  	_ = 	snop  }
0x3b: {  	_ = 	snop  }
0x3c: {  	p2 =	seq.s32 s10, $0x1;
	s10 =	sld [smem:$0x3FB2]  }
0x3d: {  	_ =	shalt  }
0x3e: {  	_ =	shalt  }
0x3f: {  	_ =	shalt  }
0x40: {  	_ =	shalt  }
0x41: {  	_ =	shalt  }
0x42: {  	_ =	shalt  }
0x43: {  	_ =	shalt  }
0x44: {  	_ =	shalt  }
0x45: {  	_ =	shalt  }
0x46: {  	_ =	shalt  }
0x47: {  	_ =	shalt  }
0x48: {  	_ =	shalt  }
0x49: {  	_ =	shalt  }
0x4a: {  	_ =	shalt  }
0x4b: {  	_ =	shalt  }
0x4c: {  	_ =	shalt  }
0x4d: {  	_ =	shalt  }
0x4e: {  	_ =	shalt  }
0x4f: {  	_ =	shalt  }
0x50: {  	_ =	shalt  }
0x51: {  	_ =	shalt  }
0x52: {  	_ =	shalt  }
0x53: {  	_ =	shalt  }
0x54: {  	_ =	shalt  }
0x55: {  	_ =	shalt  }
0x56: {  	_ =	shalt  }
0x57: {  	_ =	shalt  }
0x58: {  	_ =	shalt  }
0x59: {  	_ =	shalt  }
0x5a: {  	_ =	shalt  }
0x5b: {  	_ =	shalt  }
0x5c: {  	_ =	shalt  }
0x5d: {  	_ =	shalt  }
0x5e: {  	_ =	shalt  }
0x5f: {  	_ =	shalt  }
0x60: {  	_ =	shalt  }
0x61: {  	_ =	shalt  }
0x62: {  	_ =	shalt  }
0x63: {  	_ =	shalt  }
0x64: {  	_ =	shalt  }
0x65: {  	_ =	shalt  }
0x66: {  	_ =	shalt  }
0x67: {  	_ =	shalt  }
0x68: {  	_ =	shalt  }
0x69: {  	_ =	shalt  }
0x6a: {  	_ =	shalt  }
0x6b: {  	_ =	shalt  }
0x6c: {  	_ =	shalt  }
0x6d: {  	_ =	shalt  }
0x6e: {  	_ =	shalt  }
0x6f: {  	_ =	shalt  }
0x70: {  	_ =	shalt  }
0x71: {  	_ =	shalt  }
0x72: {  	_ =	shalt  }
0x73: {  	_ =	shalt  }
0x74: {  	_ =	shalt  }
0x75: {  	_ =	shalt  }
0x76: {  	_ =	shalt  }
0x77: {  	_ =	shalt  }
0x78: {  	_ =	shalt  }
0x79: {  	_ =	shalt  }
0x7a: {  	_ =	shalt  }
0x7b: {  	_ =	shalt  }
0x7c: {  	_ =	shalt  }
0x7d: {  	_ =	shalt  }
0x7e: {  	_ =	shalt  }
0x7f: {  	_ =	shalt  }
0x80: {  	_ =	shalt  }
0x81: {  	_ =	shalt  }
0x82: {  	_ =	shalt  }
0x83: {  	_ =	shalt  }
0x84: {  	_ =	shalt  }
0x85: {  	_ =	shalt  }
0x86: {  	_ =	shalt  }
0x87: {  	_ =	shalt  }
.Lfunc_end0:
.L_simem_size_0:
called_computation_lowered:
.L_overlay_start_0:
0x88: {  	s2 =	sld [smem:$0x3FD9]  }
0x89: {  	s3 =	sld [smem:$0x3FFE];
	_ =	sdelay $0x1  }
0x8a: {  	s1 =	srdreg.scid  }
0x8b: {  	s0 =	sand.u32 $0x1, s1  }
0x8c: {  	s14 =	sshll.u32 s0, $0xA;
	s2 =	sadd.s32 s3, s2  }
0x8d: {  	s2 =	sadd.s32 s2, s14  }
0x8e: {  	[smem:$0x3FBE] =	sst s2  }
0x8f: {  	_ = 	snop  }
0x90: {  	s2 =	sld [smem:$0x3FD0];
	_ =	sdelay $0x2  }
0x91: {  	s15 =	simm.s32 $0xA;
	s4 =	simm.s32 $0x10  }
0x92: {  	[smem:s4], [sflag:s15] =	dma.local [hbm:s2], $0x1  }
0x93: {  	_ =	swait.eq [sflag:s15], $0x1  }
0x94: {  	[sflag:s15] =	ssyncset.done $0x0  }
0x95: {  	[sflag:s15] =	ssyncadd.s32 $0xFFFFFFFF  }
0x96: {  	s16 =	sld [smem:$0x11];
	(tm) =	ssettm $0x1  }
0x97: {  	s17 =	sld [smem:$0x3FFB];
	_ =	sdelay $0x3  }
0x98: {  	_ =	strace s17  }
0x99: {  	s3 =	sld [smem:$0x3FFC];
	_ =	sdelay $0x3  }
0x9a: {  	_ =	strace s3  }
0x9b: {  	s3 =	sld [smem:$0x3FFD];
	_ =	sdelay $0x3  }
0x9c: {  	_ =	strace s3  }
0x9d: {  	_ =	strace $0x8FFFFFFF  }
0x9e: {  	s18 =	sld [smem:$0x3FDB];
	_ =	sdelay $0x1  }
0x9f: {  	s19 =	simm.s32 $_scs_section_size  }
0xa0: {  	s5 =	simm.s32 $_size__tile_overlayer_lowered;
	s6 =	simm.s32 $_tile_overlayer_lowered  }
0xa1: {  	s22 =	simm.s32 $0x1BFF;
	s21 =	sshll.u32 s6, $0x1;
	s3 =	sadd.s32 s19, s18  }
0xa2: {  	s7 =	simm.s32 $0x0;
	s20 =	sshll.u32 s5, $0x1;
	s5 =	sadd.s32 s21, s3  }
0xa3: {  	[timem:s7], [sflag:s22] =	dma.local [hbm:s5], s20  }
0xa4: {  	_ =	swait.ge [sflag:s22], s20  }
0xa5: {  	s4 =	ssub.s32 $0x0, s20;
	[sflag:s22] =	ssyncset.done $0x0  }
0xa6: {  	[sflag:s22] =	ssyncadd.s32 s4;
	_ =	sdelay $0x1  }
0xa7: {  	s23 =	simm.s32 $0x1B8B  }
0xa8: {  	_ =	swait.ge [sflag:s23], $0x1  }
0xa9: {  	[sflag:s23] =	ssyncset.done $0x0  }
0xaa: {  	s25 =	simm.s32 $0x1B8E;
	s24 =	sld [smem:$0x3FFE];
	[sflag:s23] =	ssyncadd.s32 $0xFFFFFFFF  }
0xab: {  	s26 =	simm.s32 $execute0_lowered;
	[smem:$0x3FD2] =	sst s25  }
0xac: {  	s5 =	sshll.u32 s26, $0x1;
	_ =	strace $0x80000046;
	[dreg:$0x1] =	wrdreg $0xFFFFFFFF  }
0xad: {  	s28 =	simm.s32 $_size_execute0_lowered;
	s3 =	sadd.s32 s3, s5;
	[dreg:$0x0] =	wrdreg $0x0  }
0xae: {  	s5 =	sshll.u32 s28, $0x1;
	[dreg:$0x2] =	wrdreg s3  }
0xaf: {  	[dreg:$0x3] =	wrdreg s5  }
0xb0: {  	[dreg:$0x4] =	wrdreg $0xC0  }
0xb1: {  	_ =	task [dreg:s7], $0x5FFFF  }
0xb2: {  	[dreg:$0x1] =	wrdreg $0xFFFFFFFF  }
0xb3: {  	[dreg:$0x0] =	wrdreg $0x60  }
0xb4: {  	[dreg:$0x2] =	wrdreg s24  }
0xb5: {  	[dreg:$0x3] =	wrdreg s16  }
0xb6: {  	[dreg:$0x4] =	wrdreg $0x9  }
0xb7: {  	_ =	task.clear_ibuf [dreg:s7], $0x5FFFF;
	_ =	strace $0x90000046  }
0xb8: {  	s29 =	simm.s32 $0x9;
	_ =	strace $0x80000048  }
0xb9: {  	_ =	swait.ge [sflag:s29], $0x1  }
0xba: {  	[sflag:s29] =	ssyncadd.s32 $0xFFFFFFFF  }
0xbb: {  	_ =	strace $0x90000048  }
0xbc: {  	_ =	sfence  }
0xbd: {  	s30 =	sld [smem:$0x0];
	_ =	sdelay $0x2  }
0xbe: {  	s31 =	sshll.u32 s1, $0xD;
	s1 =	sshrl.u32 s1, $0x2  }
0xbf: {  	s3 =	sand.u32 $0x4000, s31;
	s1 =	sadd.s32 s1, s30  }
0xc0: {  	s0 =	sor.u32 s3, s0;
	s1 =	sshll.u32 s1, $0x11  }
0xc1: {  	s0 =	sor.u32 s1, s0  }
0xc2: {  	s0 =	sadd.s32 $0x8F2B, s0  }
0xc3: {  	[sflag:s0] =	ssyncadd.remote.s32 $0x1  }
0xc4: {  	_ =	sfence.sel $0xFFFF  }
0xc5: {  	[dreg:$0x0] =	wrdreg $0xFFFFFFFF;
	(pc) =	sbr.abs _section_cstart, $3  }
0xc6: {  	[dreg:$0x1] =	wrdreg $0xFFFFFFFF  }
0xc7: {  	_ =	task.clear_ibuf [dreg:s7], $0x2FFFF;
	_ =	strace $0x9FFFFFFF  }
0xc8: {  	(tm) =	ssettm $0x7FFFFFFF  }
0xc9: {  	_ =	shalt  }
tec
execute0_lowered:
.L_overlay_start_1:
0x0: {  	(tag) =	ssettag $0x1  }
0x1: {  	s0 =	srdreg.scid;
	s4 =	rddreg [dreg:$0x0]  }
0x2: {  	s6 =	rddreg [dreg:$0x1];
	s1 =	stileid.u32;
	s3 =	sand.u32 $0x1, s0  }
0x3: {  	s2 =	simm.s32 $0x0;
	s11 =	simm.s32 $0x7700;
	s5 =	sshll.u32 s3, $0x4  }
0x4: {  	s12 =	simm.s32 $0x2780;
	s13 =	simm.s32 $0x0;
	s5 =	sor.u32 s1, s5  }
0x5: {  	s0 =	rddreg [dreg:$0x2];
	s31 =	ssub.s32 $0x2, s3;
	s7 =	smul.u32 $0x4EC, s5  }
0x6: {  	[smem:$0x7FF] =	sst s2;
	s9 =	sshrl.u32 s31, $0x1;
	s8 =	smul.u32 $0x500, s5  }
0x7: {  	_ =	strace $0x80000047;
	s3 =	sadd.s32 $0x16600, s4;
	s9 =	ssub.s32 s31, s9  }
0x8: {  	s7 =	sadd.s32 s7, s4;
	s10 =	sadd.s32 s8, s4;
	s6 =	sadd.s32 s6, s8  }
0x9: {  	s8 =	smax.u32 s9, $0x1;
	s9 =	simm.s32 $0x4F00;
	s4 =	sadd.s32 $0x2A00, s7  }
0xa: {  	v0 =	vimm.f32 $1.000000000e+00;
	s5 =	sadd.s32 $0xC800, s7;
	s7 =	sadd.s32 $0x16C00, s10;
	s10 =	simm.s32 $0x1  }
.LBB2_1:
0xb: {  	[tilespmem:s9], [sflag:$0x1] =	stream.linear.gather [hbm4b:s3+s2], $0x2800, $0x38;
	[tilespmem:$0x9F00] =	vst v63  }
0xc: {  	_ =	swait.ge [sflag:s10], $0x2800  }
0xd: {  	[sflag:s10] =	ssyncset.done $0x0  }
0xe: {  	[sflag:s10] =	ssyncadd.s32 $0xFFFFD800  }
0xf: {  	[tilespmem:s11], [sflag:$0x1] =	stream.linear.gather [hbm4b:s3+s2], $0x2800, $0x38;
	[tilespmem:$0x9F00] =	vst v63  }
0x10: {  	_ =	swait.ge [sflag:s10], $0x2800  }
0x11: {  	[sflag:s10] =	ssyncset.done $0x0  }
0x12: {  	[sflag:s10] =	ssyncadd.s32 $0xFFFFD800  }
0x13: {  	[tilespmem:s2], [sflag:$0x1] =	stream.linear.gather [hbm4b:s4+s2], $0x2760, $0x38;
	[tilespmem:$0x9F00] =	vst v63  }
0x14: {  	_ =	swait.ge [sflag:s10], $0x2760  }
0x15: {  	[sflag:s10] =	ssyncset.done $0x0  }
0x16: {  	[sflag:s10] =	ssyncadd.s32 $0xFFFFD8A0  }
0x17: {  	[tilespmem:s12], [sflag:$0x1] =	stream.linear.gather [hbm4b:s5+s2], $0x2760, $0x38;
	[tilespmem:$0x9F00] =	vst v63  }
0x18: {  	_ =	swait.ge [sflag:s10], $0x2760  }
0x19: {  	[sflag:s10] =	ssyncset.done $0x0  }
0x1a: {  	s15 =	simm.s32 $0x0;
	s14 =	simm.s32 $0x40;
	[sflag:s10] =	ssyncadd.s32 $0xFFFFD8A0  }
.LBB2_2:
0x1b: {  	p0 =	sne.s32 s14, $0x9D40;
	v1 =	vld [tilespmem:s15+$0x0];
	_ =	sdelay $0x7  }
0x1c: {  	[tilespmem:v1+s9+$0x0] =	vst.idx.add.f32.msk $0xffff, v0  }
0x1d: {  	v1 =	vld [tilespmem:s15+$0x2780];
	_ =	sdelay $0x3  }
.Ltmp0:
0x1e: {  	(pc) =	sbr.rel @p0 .LBB2_2-.Ltmp0, $2  }
0x1f: {  	_ =	sdelay $0x2  }
0x20: {  	s15 =	sshra.s32 s14, $0x2;
	s14 =	sadd.s32 $0x40, s14;
	[tilespmem:v1+s11+$0x0] =	vst.idx.add.f32.msk $0xffff, v0  }
0x21: {  	v1 =	vld [tilespmem:s15+$0x0];
	_ =	sdelay $0x7  }
0x22: {  	[tilespmem:v1+s9+$0x0] =	vst.idx.add.f32.msk $0xffff, v0  }
0x23: {  	v1 =	vld [tilespmem:s15+$0x2780];
	_ =	sdelay $0x7  }
0x24: {  	[tilespmem:v1+s11+$0x0] =	vst.idx.add.f32.msk $0xffff, v0  }
0x25: {  	[hbm4b:s6+s2] =	stream.linear.scatter [tilespmem:s9], [sflag:$0x1], $0x2800, $0x38;
	[tilespmem:$0x9F00] =	vst v63  }
0x26: {  	s13 =	sadd.s32 $0x1, s13;
	_ =	swait.ge [sflag:s10], $0x2800  }
0x27: {  	p0 =	sne.s32 s13, s8;
	[sflag:s10] =	ssyncset.done $0x0  }
.Ltmp1:
0x28: {  	[sflag:s10] =	ssyncadd.s32 $0xFFFFD800;
	(pc) =	sbr.rel @p0 .LBB2_1-.Ltmp1, $4  }
0x29: {  	[hbm4b:s7+s2] =	stream.linear.scatter [tilespmem:s11], [sflag:$0x1], $0x2800, $0x38;
	[tilespmem:$0x9F00] =	vst v63  }
0x2a: {  	_ =	swait.ge [sflag:s10], $0x2800  }
0x2b: {  	[sflag:s10] =	ssyncset.done $0x0  }
0x2c: {  	[sflag:s10] =	ssyncadd.s32 $0xFFFFD800  }
0x2d: {  	_ =	sfence.sel $0x180000  }
0x2e: {  	[bflag:$0x0] =	sbarrier.arrive $0xFFFF  }
0x2f: {  	p0 =	sne.s32 s1, $0x0;
	_ =	strace $0x90000047  }
0x30: {  	s0 =	sadd.s32 @!p0 $0x100000, s0;
	[bflag:$0x2] =	sbarrier.arrive $0xFFFF  }
0x31: {  	[sflag:s0] =	ssyncadd.tile.s32 @!p0 $0x1;
	_ =	shalt  }
.Lfunc_end2:
_tile_overlayer_lowered:
.L_overlay_start_2:
0x32: {  	(tag) =	ssettag $0x2  }
0x33: {  	s0 =	rddreg [dreg:$0x0];
	s2 =	stileid.u32  }
0x34: {  	s1 =	rddreg [dreg:$0x1];
	p0 =	sne.s32 s2, $0x0  }
0x35: {  	s3 =	rddreg [dreg:$0x2];
	[bflag:$0x3] =	sbarrier.arrive $0xFFFF;
	s2 =	simm.s32 @!p0 $0x1C01  }
0x36: {  	[timem:s3], [sflag:s2] =	dma.local @!p0 [hbm:s0], s1  }
0x37: {  	s0 =	simm.s32 @!p0 $0x1  }
0x38: {  	_ =	swait.ge @!p0 [sflag:s0], s1  }
0x39: {  	s1 =	ssub.s32 @!p0 $0x0, s1;
	[sflag:s0] =	ssyncset.done @!p0 $0x0  }
0x3a: {  	[sflag:s0] =	ssyncadd.s32 @!p0 s1  }
0x3b: {  	[bflag:$0x3] =	sbarrier.arrive $0xFFFF  }
0x3c: {  	_ =	shalt  }

</sc_bundles>
